<compile_context>
chip_gen: v7x
topology: tpu7x:2x2x1
jax: 0.10.2.dev20260603
libtpu: 0.0.44.dev20260713+nightly
codegen_flags: <defaults>
</compile_context>

<pallas_src>
import jax
import jax.numpy as jnp
from jax import lax
from jax.experimental import pallas as pl
from jax.experimental.pallas import tpu as pltpu
from jax.experimental.pallas import tpu_sc as plsc

BATCH = 16384
EMBED_DIM = 64
LANES = 16

_info = plsc.get_sparse_core_info()
NUM_CORES = _info.num_cores
NUM_SUBCORES = _info.num_subcores
NW = NUM_CORES * NUM_SUBCORES
BPW = BATCH // NW
CHUNK = 128
NCHUNK = BPW // CHUNK
GROUPS = BPW // LANES


def _sc_kernel(uid_hbm, iid_hbm, ut_hbm, it_hbm, out_hbm,
               uidx, iidx, urows, irows, outv, sem):
    wid = lax.axis_index("s") * NUM_CORES + lax.axis_index("c")
    base = wid * BPW

    pltpu.sync_copy(uid_hbm.at[wid], uidx)
    pltpu.sync_copy(iid_hbm.at[wid], iidx)

    for j in range(NCHUNK):
        dst = pl.ds(j * CHUNK, CHUNK)
        pltpu.async_copy(ut_hbm.at[uidx.at[j]], urows.at[dst], sem)
        pltpu.async_copy(it_hbm.at[iidx.at[j]], irows.at[dst], sem)
    for j in range(NCHUNK):
        dst = pl.ds(j * CHUNK, CHUNK)
        pltpu.make_async_copy(ut_hbm.at[uidx.at[j]], urows.at[dst], sem).wait()
        pltpu.make_async_copy(it_hbm.at[iidx.at[j]], irows.at[dst], sem).wait()

    lane = lax.iota(jnp.int32, LANES)

    def group_body(g, carry):
        rows = g * LANES + lane
        acc0 = jnp.zeros((LANES,), jnp.float32)
        acc1 = jnp.zeros((LANES,), jnp.float32)
        for d in range(0, EMBED_DIM, 2):
            c0 = jnp.full((LANES,), d, jnp.int32)
            c1 = jnp.full((LANES,), d + 1, jnp.int32)
            acc0 = acc0 + (plsc.load_gather(urows, [rows, c0]) *
                           plsc.load_gather(irows, [rows, c0]))
            acc1 = acc1 + (plsc.load_gather(urows, [rows, c1]) *
                           plsc.load_gather(irows, [rows, c1]))
        outv[pl.ds(g * LANES, LANES)] = acc0 + acc1
        return carry

    lax.fori_loop(0, GROUPS, group_body, 0)

    pltpu.sync_copy(outv, out_hbm.at[pl.ds(base, BPW)])


@jax.jit
def kernel(user_ids, item_ids, user_table, item_table):
    uid = user_ids.astype(jnp.int32).reshape(NW, NCHUNK, CHUNK)
    iid = item_ids.astype(jnp.int32).reshape(NW, NCHUNK, CHUNK)

    mesh = plsc.VectorSubcoreMesh(core_axis_name="c", subcore_axis_name="s")
    run = pl.kernel(
        _sc_kernel,
        out_type=jax.ShapeDtypeStruct((BATCH,), jnp.float32),
        mesh=mesh,
        scratch_types=[
            pltpu.VMEM((NCHUNK, CHUNK), jnp.int32),
            pltpu.VMEM((NCHUNK, CHUNK), jnp.int32),
            pltpu.VMEM((BPW, EMBED_DIM), jnp.float32),
            pltpu.VMEM((BPW, EMBED_DIM), jnp.float32),
            pltpu.VMEM((BPW,), jnp.float32),
            pltpu.SemaphoreType.DMA,
        ],
        compiler_params=pltpu.CompilerParams(
            needs_layout_passes=False, use_tc_tiling_on_sc=False),
    )
    return run(uid, iid, user_table, item_table)

# --- scband reference (transcript-rebuilt; emitter-appended) ---
"""Pipeline reference for scband-matrix-factorization-32615981645867 (READ-ONLY COPY).

The authoritative reference and input builder live on the scoring server;
editing this copy changes nothing except your own understanding.
"""

import jax, jax.numpy as jnp
import numpy as np

N_USERS = 1000000
N_ITEMS = 1000000
EMBED_DIM = 64
BATCH = 16384


def setup_inputs(seed: int = 0) -> dict:
    key = jax.random.key(seed)
    k1, k2, k3, k4 = jax.random.split(key, 4)
    user_ids = jax.random.randint(k1, (BATCH,), 0, N_USERS, dtype=jnp.int64 if jax.config.read('jax_enable_x64') else jnp.int32)
    item_ids = jax.random.randint(k2, (BATCH,), 0, N_ITEMS, dtype=jnp.int64 if jax.config.read('jax_enable_x64') else jnp.int32)
    # Learned parameters: embedding tables initialized uniform(-0.05, 0.05) as in the torch module
    user_table = jax.random.uniform(k3, (N_USERS, EMBED_DIM), dtype=jnp.float32, minval=-0.05, maxval=0.05)
    item_table = jax.random.uniform(k4, (N_ITEMS, EMBED_DIM), dtype=jnp.float32, minval=-0.05, maxval=0.05)
    return {"user_ids": user_ids, "item_ids": item_ids, "user_table": user_table, "item_table": item_table}


def reference(user_ids, item_ids, user_table, item_table):
    # user_embeds = self.user_embeddings(user_ids)
    user_embeds = jnp.take(user_table, user_ids, axis=0)
    # item_embeds = self.item_embeddings(item_ids)
    item_embeds = jnp.take(item_table, item_ids, axis=0)
    # predictions = (user_embeds * item_embeds).sum(dim=1)
    predictions = jnp.sum(user_embeds * item_embeds, axis=1)
    return predictions

if __name__ == "__main__":
    import jax
    _d = setup_inputs()
    print(jax.jit(kernel)(*tuple(_d.values())))

</pallas_src>

<mosaic_0001>
#map = affine_map<(d0, d1) -> (0, 0, 0)>
#map1 = affine_map<(d0, d1) -> (0, 0)>
#map2 = affine_map<(d0, d1) -> (0)>
module attributes {stable_mosaic.version = 14 : i64} {
  func.func @_sc_kernel(%arg0: i32, %arg1: i32, %arg2: memref<32x4x128xi32, #tpu.memory_space<hbm>>, %arg3: memref<32x4x128xi32, #tpu.memory_space<hbm>>, %arg4: memref<1000000x64xf32, #tpu.memory_space<hbm>>, %arg5: memref<1000000x64xf32, #tpu.memory_space<hbm>>, %arg6: memref<16384xf32, #tpu.memory_space<hbm>>, %arg7: memref<4x128xi32, #tpu.memory_space<vmem>>, %arg8: memref<4x128xi32, #tpu.memory_space<vmem>>, %arg9: memref<512x64xf32, #tpu.memory_space<vmem>>, %arg10: memref<512x64xf32, #tpu.memory_space<vmem>>, %arg11: memref<512xf32, #tpu.memory_space<vmem>>, %arg12: memref<!tpu.dma_semaphore, #tpu.memory_space<semaphore_mem>>) attributes {dimension_semantics = [#tpu.dimension_semantics<core_parallel>, #tpu.dimension_semantics<subcore_parallel>], iteration_bounds = array<i64: 2, 16>, scalar_prefetch = 0 : i64, scratch_operands = 6 : i64, tpu.core_type = #tpu.core_type<sc_vector_subcore>, window_params = [{transform_indices = #map}, {transform_indices = #map}, {transform_indices = #map1}, {transform_indices = #map1}, {transform_indices = #map2}]} {
    %mul3A = arith.constant 2 : i32
    %mul3A_0 = arith.muli %arg1, %mul3A : i32
    %add3A = arith.addi %mul3A_0, %arg0 : i32
    %mul3A_1 = arith.constant 512 : i32
    %mul3A_2 = arith.muli %add3A, %mul3A_1 : i32
    "tpu.region"() ({
      %run_scoped3A = tpu.sem_alloc : memref<!tpu.dma_semaphore, #tpu.memory_space<semaphore_mem>>
      %dma_start3A_166 = arith.constant 0 : i32
      %dma_start3A_167 = arith.constant 0 : i32
      %dma_start3A_168 = tpu.memref_slice %arg2[%add3A, %dma_start3A_166, %dma_start3A_167] : memref<32x4x128xi32, #tpu.memory_space<hbm>> -> memref<1x4x128xi32, #tpu.memory_space<hbm>>
      %dma_start3A_169 = tpu.memref_squeeze %dma_start3A_168 : memref<1x4x128xi32, #tpu.memory_space<hbm>> -> memref<4x128xi32, #tpu.memory_space<hbm>>
      %dma_start3A_170 = arith.constant 0 : i32
      %dma_start3A_171 = arith.constant 0 : i32
      %dma_start3A_172 = tpu.memref_slice %arg2[%add3A, %dma_start3A_170, %dma_start3A_171] : memref<32x4x128xi32, #tpu.memory_space<hbm>> -> memref<1x4x128xi32, #tpu.memory_space<hbm>>
      %dma_start3A_173 = tpu.memref_squeeze %dma_start3A_172 : memref<1x4x128xi32, #tpu.memory_space<hbm>> -> memref<4x128xi32, #tpu.memory_space<hbm>>
      tpu.enqueue_dma source(%dma_start3A_173 : memref<4x128xi32, #tpu.memory_space<hbm>>) target(%arg7 : memref<4x128xi32, #tpu.memory_space<vmem>>) target_semaphore(%run_scoped3A : memref<!tpu.dma_semaphore, #tpu.memory_space<semaphore_mem>>)
      %dma_wait3A_174 = arith.constant 0 : i32
      %dma_wait3A_175 = arith.constant 0 : i32
      %dma_wait3A_176 = tpu.memref_slice %arg2[%add3A, %dma_wait3A_174, %dma_wait3A_175] : memref<32x4x128xi32, #tpu.memory_space<hbm>> -> memref<1x4x128xi32, #tpu.memory_space<hbm>>
      %dma_wait3A_177 = tpu.memref_squeeze %dma_wait3A_176 : memref<1x4x128xi32, #tpu.memory_space<hbm>> -> memref<4x128xi32, #tpu.memory_space<hbm>>
      %dma_wait3A_178 = arith.constant 0 : i32
      %dma_wait3A_179 = arith.constant 0 : i32
      %dma_wait3A_180 = tpu.memref_slice %arg2[%add3A, %dma_wait3A_178, %dma_wait3A_179] : memref<32x4x128xi32, #tpu.memory_space<hbm>> -> memref<1x4x128xi32, #tpu.memory_space<hbm>>
      %dma_wait3A_181 = tpu.memref_squeeze %dma_wait3A_180 : memref<1x4x128xi32, #tpu.memory_space<hbm>> -> memref<4x128xi32, #tpu.memory_space<hbm>>
      tpu.wait_dma2 semaphore(%run_scoped3A : memref<!tpu.dma_semaphore, #tpu.memory_space<semaphore_mem>>) src(%dma_wait3A_181 : memref<4x128xi32, #tpu.memory_space<hbm>>) dst(%arg7 : memref<4x128xi32, #tpu.memory_space<vmem>>)
      tpu.yield
    }) : () -> ()
    "tpu.region"() ({
      %run_scoped3A = tpu.sem_alloc : memref<!tpu.dma_semaphore, #tpu.memory_space<semaphore_mem>>
      %dma_start3A_166 = arith.constant 0 : i32
      %dma_start3A_167 = arith.constant 0 : i32
      %dma_start3A_168 = tpu.memref_slice %arg3[%add3A, %dma_start3A_166, %dma_start3A_167] : memref<32x4x128xi32, #tpu.memory_space<hbm>> -> memref<1x4x128xi32, #tpu.memory_space<hbm>>
      %dma_start3A_169 = tpu.memref_squeeze %dma_start3A_168 : memref<1x4x128xi32, #tpu.memory_space<hbm>> -> memref<4x128xi32, #tpu.memory_space<hbm>>
      %dma_start3A_170 = arith.constant 0 : i32
      %dma_start3A_171 = arith.constant 0 : i32
      %dma_start3A_172 = tpu.memref_slice %arg3[%add3A, %dma_start3A_170, %dma_start3A_171] : memref<32x4x128xi32, #tpu.memory_space<hbm>> -> memref<1x4x128xi32, #tpu.memory_space<hbm>>
      %dma_start3A_173 = tpu.memref_squeeze %dma_start3A_172 : memref<1x4x128xi32, #tpu.memory_space<hbm>> -> memref<4x128xi32, #tpu.memory_space<hbm>>
      tpu.enqueue_dma source(%dma_start3A_173 : memref<4x128xi32, #tpu.memory_space<hbm>>) target(%arg8 : memref<4x128xi32, #tpu.memory_space<vmem>>) target_semaphore(%run_scoped3A : memref<!tpu.dma_semaphore, #tpu.memory_space<semaphore_mem>>)
      %dma_wait3A_174 = arith.constant 0 : i32
      %dma_wait3A_175 = arith.constant 0 : i32
      %dma_wait3A_176 = tpu.memref_slice %arg3[%add3A, %dma_wait3A_174, %dma_wait3A_175] : memref<32x4x128xi32, #tpu.memory_space<hbm>> -> memref<1x4x128xi32, #tpu.memory_space<hbm>>
      %dma_wait3A_177 = tpu.memref_squeeze %dma_wait3A_176 : memref<1x4x128xi32, #tpu.memory_space<hbm>> -> memref<4x128xi32, #tpu.memory_space<hbm>>
      %dma_wait3A_178 = arith.constant 0 : i32
      %dma_wait3A_179 = arith.constant 0 : i32
      %dma_wait3A_180 = tpu.memref_slice %arg3[%add3A, %dma_wait3A_178, %dma_wait3A_179] : memref<32x4x128xi32, #tpu.memory_space<hbm>> -> memref<1x4x128xi32, #tpu.memory_space<hbm>>
      %dma_wait3A_181 = tpu.memref_squeeze %dma_wait3A_180 : memref<1x4x128xi32, #tpu.memory_space<hbm>> -> memref<4x128xi32, #tpu.memory_space<hbm>>
      tpu.wait_dma2 semaphore(%run_scoped3A : memref<!tpu.dma_semaphore, #tpu.memory_space<semaphore_mem>>) src(%dma_wait3A_181 : memref<4x128xi32, #tpu.memory_space<hbm>>) dst(%arg8 : memref<4x128xi32, #tpu.memory_space<vmem>>)
      tpu.yield
    }) : () -> ()
    %dma_start3A = arith.constant 0 : i32
    %dma_start3A_3 = arith.constant 0 : i32
    %dma_start3A_4 = arith.constant 0 : i32
    %dma_start3A_5 = tpu.memref_slice %arg9[%dma_start3A_3, %dma_start3A_4] : memref<512x64xf32, #tpu.memory_space<vmem>> -> memref<128x64xf32, #tpu.memory_space<vmem>>
    %dma_start3A_6 = arith.constant 0 : i32
    %dma_start3A_7 = tpu.memref_slice %arg7[%dma_start3A, %dma_start3A_6] : memref<4x128xi32, #tpu.memory_space<vmem>> -> memref<1x128xi32, #tpu.memory_space<vmem>>
    %dma_start3A_8 = tpu.memref_squeeze %dma_start3A_7 : memref<1x128xi32, #tpu.memory_space<vmem>> -> memref<128xi32, #tpu.memory_space<vmem>>
    %dma_start3A_9 = arith.constant 0 : i32
    %dma_start3A_10 = arith.constant 0 : i32
    %dma_start3A_11 = tpu.memref_slice %arg4[%dma_start3A_9, %dma_start3A_10] : memref<1000000x64xf32, #tpu.memory_space<hbm>> -> memref<1000000x64xf32, #tpu.memory_space<hbm>>
    tpu.enqueue_indirect_dma source(%dma_start3A_11 : memref<1000000x64xf32, #tpu.memory_space<hbm>>) target(%dma_start3A_5 : memref<128x64xf32, #tpu.memory_space<vmem>>) offsets(%dma_start3A_8 : memref<128xi32, #tpu.memory_space<vmem>>) semaphore(%arg12 : memref<!tpu.dma_semaphore, #tpu.memory_space<semaphore_mem>>)
    %dma_start3A_12 = arith.constant 0 : i32
    %dma_start3A_13 = arith.constant 0 : i32
    %dma_start3A_14 = arith.constant 0 : i32
    %dma_start3A_15 = tpu.memref_slice %arg10[%dma_start3A_13, %dma_start3A_14] : memref<512x64xf32, #tpu.memory_space<vmem>> -> memref<128x64xf32, #tpu.memory_space<vmem>>
    %dma_start3A_16 = arith.constant 0 : i32
    %dma_start3A_17 = tpu.memref_slice %arg8[%dma_start3A_12, %dma_start3A_16] : memref<4x128xi32, #tpu.memory_space<vmem>> -> memref<1x128xi32, #tpu.memory_space<vmem>>
    %dma_start3A_18 = tpu.memref_squeeze %dma_start3A_17 : memref<1x128xi32, #tpu.memory_space<vmem>> -> memref<128xi32, #tpu.memory_space<vmem>>
    %dma_start3A_19 = arith.constant 0 : i32
    %dma_start3A_20 = arith.constant 0 : i32
    %dma_start3A_21 = tpu.memref_slice %arg5[%dma_start3A_19, %dma_start3A_20] : memref<1000000x64xf32, #tpu.memory_space<hbm>> -> memref<1000000x64xf32, #tpu.memory_space<hbm>>
    tpu.enqueue_indirect_dma source(%dma_start3A_21 : memref<1000000x64xf32, #tpu.memory_space<hbm>>) target(%dma_start3A_15 : memref<128x64xf32, #tpu.memory_space<vmem>>) offsets(%dma_start3A_18 : memref<128xi32, #tpu.memory_space<vmem>>) semaphore(%arg12 : memref<!tpu.dma_semaphore, #tpu.memory_space<semaphore_mem>>)
    %dma_start3A_22 = arith.constant 1 : i32
    %dma_start3A_23 = arith.constant 128 : i32
    %dma_start3A_24 = arith.constant 0 : i32
    %dma_start3A_25 = tpu.memref_slice %arg9[%dma_start3A_23, %dma_start3A_24] : memref<512x64xf32, #tpu.memory_space<vmem>> -> memref<128x64xf32, #tpu.memory_space<vmem>>
    %dma_start3A_26 = arith.constant 0 : i32
    %dma_start3A_27 = tpu.memref_slice %arg7[%dma_start3A_22, %dma_start3A_26] : memref<4x128xi32, #tpu.memory_space<vmem>> -> memref<1x128xi32, #tpu.memory_space<vmem>>
    %dma_start3A_28 = tpu.memref_squeeze %dma_start3A_27 : memref<1x128xi32, #tpu.memory_space<vmem>> -> memref<128xi32, #tpu.memory_space<vmem>>
    %dma_start3A_29 = arith.constant 0 : i32
    %dma_start3A_30 = arith.constant 0 : i32
    %dma_start3A_31 = tpu.memref_slice %arg4[%dma_start3A_29, %dma_start3A_30] : memref<1000000x64xf32, #tpu.memory_space<hbm>> -> memref<1000000x64xf32, #tpu.memory_space<hbm>>
    tpu.enqueue_indirect_dma source(%dma_start3A_31 : memref<1000000x64xf32, #tpu.memory_space<hbm>>) target(%dma_start3A_25 : memref<128x64xf32, #tpu.memory_space<vmem>>) offsets(%dma_start3A_28 : memref<128xi32, #tpu.memory_space<vmem>>) semaphore(%arg12 : memref<!tpu.dma_semaphore, #tpu.memory_space<semaphore_mem>>)
    %dma_start3A_32 = arith.constant 1 : i32
    %dma_start3A_33 = arith.constant 128 : i32
    %dma_start3A_34 = arith.constant 0 : i32
    %dma_start3A_35 = tpu.memref_slice %arg10[%dma_start3A_33, %dma_start3A_34] : memref<512x64xf32, #tpu.memory_space<vmem>> -> memref<128x64xf32, #tpu.memory_space<vmem>>
    %dma_start3A_36 = arith.constant 0 : i32
    %dma_start3A_37 = tpu.memref_slice %arg8[%dma_start3A_32, %dma_start3A_36] : memref<4x128xi32, #tpu.memory_space<vmem>> -> memref<1x128xi32, #tpu.memory_space<vmem>>
    %dma_start3A_38 = tpu.memref_squeeze %dma_start3A_37 : memref<1x128xi32, #tpu.memory_space<vmem>> -> memref<128xi32, #tpu.memory_space<vmem>>
    %dma_start3A_39 = arith.constant 0 : i32
    %dma_start3A_40 = arith.constant 0 : i32
    %dma_start3A_41 = tpu.memref_slice %arg5[%dma_start3A_39, %dma_start3A_40] : memref<1000000x64xf32, #tpu.memory_space<hbm>> -> memref<1000000x64xf32, #tpu.memory_space<hbm>>
    tpu.enqueue_indirect_dma source(%dma_start3A_41 : memref<1000000x64xf32, #tpu.memory_space<hbm>>) target(%dma_start3A_35 : memref<128x64xf32, #tpu.memory_space<vmem>>) offsets(%dma_start3A_38 : memref<128xi32, #tpu.memory_space<vmem>>) semaphore(%arg12 : memref<!tpu.dma_semaphore, #tpu.memory_space<semaphore_mem>>)
    %dma_start3A_42 = arith.constant 2 : i32
    %dma_start3A_43 = arith.constant 256 : i32
    %dma_start3A_44 = arith.constant 0 : i32
    %dma_start3A_45 = tpu.memref_slice %arg9[%dma_start3A_43, %dma_start3A_44] : memref<512x64xf32, #tpu.memory_space<vmem>> -> memref<128x64xf32, #tpu.memory_space<vmem>>
    %dma_start3A_46 = arith.constant 0 : i32
    %dma_start3A_47 = tpu.memref_slice %arg7[%dma_start3A_42, %dma_start3A_46] : memref<4x128xi32, #tpu.memory_space<vmem>> -> memref<1x128xi32, #tpu.memory_space<vmem>>
    %dma_start3A_48 = tpu.memref_squeeze %dma_start3A_47 : memref<1x128xi32, #tpu.memory_space<vmem>> -> memref<128xi32, #tpu.memory_space<vmem>>
    %dma_start3A_49 = arith.constant 0 : i32
    %dma_start3A_50 = arith.constant 0 : i32
    %dma_start3A_51 = tpu.memref_slice %arg4[%dma_start3A_49, %dma_start3A_50] : memref<1000000x64xf32, #tpu.memory_space<hbm>> -> memref<1000000x64xf32, #tpu.memory_space<hbm>>
    tpu.enqueue_indirect_dma source(%dma_start3A_51 : memref<1000000x64xf32, #tpu.memory_space<hbm>>) target(%dma_start3A_45 : memref<128x64xf32, #tpu.memory_space<vmem>>) offsets(%dma_start3A_48 : memref<128xi32, #tpu.memory_space<vmem>>) semaphore(%arg12 : memref<!tpu.dma_semaphore, #tpu.memory_space<semaphore_mem>>)
    %dma_start3A_52 = arith.constant 2 : i32
    %dma_start3A_53 = arith.constant 256 : i32
    %dma_start3A_54 = arith.constant 0 : i32
    %dma_start3A_55 = tpu.memref_slice %arg10[%dma_start3A_53, %dma_start3A_54] : memref<512x64xf32, #tpu.memory_space<vmem>> -> memref<128x64xf32, #tpu.memory_space<vmem>>
    %dma_start3A_56 = arith.constant 0 : i32
    %dma_start3A_57 = tpu.memref_slice %arg8[%dma_start3A_52, %dma_start3A_56] : memref<4x128xi32, #tpu.memory_space<vmem>> -> memref<1x128xi32, #tpu.memory_space<vmem>>
    %dma_start3A_58 = tpu.memref_squeeze %dma_start3A_57 : memref<1x128xi32, #tpu.memory_space<vmem>> -> memref<128xi32, #tpu.memory_space<vmem>>
    %dma_start3A_59 = arith.constant 0 : i32
    %dma_start3A_60 = arith.constant 0 : i32
    %dma_start3A_61 = tpu.memref_slice %arg5[%dma_start3A_59, %dma_start3A_60] : memref<1000000x64xf32, #tpu.memory_space<hbm>> -> memref<1000000x64xf32, #tpu.memory_space<hbm>>
    tpu.enqueue_indirect_dma source(%dma_start3A_61 : memref<1000000x64xf32, #tpu.memory_space<hbm>>) target(%dma_start3A_55 : memref<128x64xf32, #tpu.memory_space<vmem>>) offsets(%dma_start3A_58 : memref<128xi32, #tpu.memory_space<vmem>>) semaphore(%arg12 : memref<!tpu.dma_semaphore, #tpu.memory_space<semaphore_mem>>)
    %dma_start3A_62 = arith.constant 3 : i32
    %dma_start3A_63 = arith.constant 384 : i32
    %dma_start3A_64 = arith.constant 0 : i32
    %dma_start3A_65 = tpu.memref_slice %arg9[%dma_start3A_63, %dma_start3A_64] : memref<512x64xf32, #tpu.memory_space<vmem>> -> memref<128x64xf32, #tpu.memory_space<vmem>>
    %dma_start3A_66 = arith.constant 0 : i32
    %dma_start3A_67 = tpu.memref_slice %arg7[%dma_start3A_62, %dma_start3A_66] : memref<4x128xi32, #tpu.memory_space<vmem>> -> memref<1x128xi32, #tpu.memory_space<vmem>>
    %dma_start3A_68 = tpu.memref_squeeze %dma_start3A_67 : memref<1x128xi32, #tpu.memory_space<vmem>> -> memref<128xi32, #tpu.memory_space<vmem>>
    %dma_start3A_69 = arith.constant 0 : i32
    %dma_start3A_70 = arith.constant 0 : i32
    %dma_start3A_71 = tpu.memref_slice %arg4[%dma_start3A_69, %dma_start3A_70] : memref<1000000x64xf32, #tpu.memory_space<hbm>> -> memref<1000000x64xf32, #tpu.memory_space<hbm>>
    tpu.enqueue_indirect_dma source(%dma_start3A_71 : memref<1000000x64xf32, #tpu.memory_space<hbm>>) target(%dma_start3A_65 : memref<128x64xf32, #tpu.memory_space<vmem>>) offsets(%dma_start3A_68 : memref<128xi32, #tpu.memory_space<vmem>>) semaphore(%arg12 : memref<!tpu.dma_semaphore, #tpu.memory_space<semaphore_mem>>)
    %dma_start3A_72 = arith.constant 3 : i32
    %dma_start3A_73 = arith.constant 384 : i32
    %dma_start3A_74 = arith.constant 0 : i32
    %dma_start3A_75 = tpu.memref_slice %arg10[%dma_start3A_73, %dma_start3A_74] : memref<512x64xf32, #tpu.memory_space<vmem>> -> memref<128x64xf32, #tpu.memory_space<vmem>>
    %dma_start3A_76 = arith.constant 0 : i32
    %dma_start3A_77 = tpu.memref_slice %arg8[%dma_start3A_72, %dma_start3A_76] : memref<4x128xi32, #tpu.memory_space<vmem>> -> memref<1x128xi32, #tpu.memory_space<vmem>>
    %dma_start3A_78 = tpu.memref_squeeze %dma_start3A_77 : memref<1x128xi32, #tpu.memory_space<vmem>> -> memref<128xi32, #tpu.memory_space<vmem>>
    %dma_start3A_79 = arith.constant 0 : i32
    %dma_start3A_80 = arith.constant 0 : i32
    %dma_start3A_81 = tpu.memref_slice %arg5[%dma_start3A_79, %dma_start3A_80] : memref<1000000x64xf32, #tpu.memory_space<hbm>> -> memref<1000000x64xf32, #tpu.memory_space<hbm>>
    tpu.enqueue_indirect_dma source(%dma_start3A_81 : memref<1000000x64xf32, #tpu.memory_space<hbm>>) target(%dma_start3A_75 : memref<128x64xf32, #tpu.memory_space<vmem>>) offsets(%dma_start3A_78 : memref<128xi32, #tpu.memory_space<vmem>>) semaphore(%arg12 : memref<!tpu.dma_semaphore, #tpu.memory_space<semaphore_mem>>)
    %dma_wait3A = arith.constant 0 : i32
    %dma_wait3A_82 = arith.constant 0 : i32
    %dma_wait3A_83 = arith.constant 0 : i32
    %dma_wait3A_84 = tpu.memref_slice %arg9[%dma_wait3A_82, %dma_wait3A_83] : memref<512x64xf32, #tpu.memory_space<vmem>> -> memref<128x64xf32, #tpu.memory_space<vmem>>
    %dma_wait3A_85 = arith.constant 0 : i32
    %dma_wait3A_86 = tpu.memref_slice %arg7[%dma_wait3A, %dma_wait3A_85] : memref<4x128xi32, #tpu.memory_space<vmem>> -> memref<1x128xi32, #tpu.memory_space<vmem>>
    %dma_wait3A_87 = tpu.memref_squeeze %dma_wait3A_86 : memref<1x128xi32, #tpu.memory_space<vmem>> -> memref<128xi32, #tpu.memory_space<vmem>>
    %dma_wait3A_88 = arith.constant 0 : i32
    %dma_wait3A_89 = arith.constant 0 : i32
    %dma_wait3A_90 = tpu.memref_slice %arg4[%dma_wait3A_88, %dma_wait3A_89] : memref<1000000x64xf32, #tpu.memory_space<hbm>> -> memref<1000000x64xf32, #tpu.memory_space<hbm>>
    tpu.wait_indirect_dma semaphore(%arg12 : memref<!tpu.dma_semaphore, #tpu.memory_space<semaphore_mem>>) src(%dma_wait3A_90 : memref<1000000x64xf32, #tpu.memory_space<hbm>>) dst(%dma_wait3A_84 : memref<128x64xf32, #tpu.memory_space<vmem>>)
    %dma_wait3A_91 = arith.constant 0 : i32
    %dma_wait3A_92 = arith.constant 0 : i32
    %dma_wait3A_93 = arith.constant 0 : i32
    %dma_wait3A_94 = tpu.memref_slice %arg10[%dma_wait3A_92, %dma_wait3A_93] : memref<512x64xf32, #tpu.memory_space<vmem>> -> memref<128x64xf32, #tpu.memory_space<vmem>>
    %dma_wait3A_95 = arith.constant 0 : i32
    %dma_wait3A_96 = tpu.memref_slice %arg8[%dma_wait3A_91, %dma_wait3A_95] : memref<4x128xi32, #tpu.memory_space<vmem>> -> memref<1x128xi32, #tpu.memory_space<vmem>>
    %dma_wait3A_97 = tpu.memref_squeeze %dma_wait3A_96 : memref<1x128xi32, #tpu.memory_space<vmem>> -> memref<128xi32, #tpu.memory_space<vmem>>
    %dma_wait3A_98 = arith.constant 0 : i32
    %dma_wait3A_99 = arith.constant 0 : i32
    %dma_wait3A_100 = tpu.memref_slice %arg5[%dma_wait3A_98, %dma_wait3A_99] : memref<1000000x64xf32, #tpu.memory_space<hbm>> -> memref<1000000x64xf32, #tpu.memory_space<hbm>>
    tpu.wait_indirect_dma semaphore(%arg12 : memref<!tpu.dma_semaphore, #tpu.memory_space<semaphore_mem>>) src(%dma_wait3A_100 : memref<1000000x64xf32, #tpu.memory_space<hbm>>) dst(%dma_wait3A_94 : memref<128x64xf32, #tpu.memory_space<vmem>>)
    %dma_wait3A_101 = arith.constant 1 : i32
    %dma_wait3A_102 = arith.constant 128 : i32
    %dma_wait3A_103 = arith.constant 0 : i32
    %dma_wait3A_104 = tpu.memref_slice %arg9[%dma_wait3A_102, %dma_wait3A_103] : memref<512x64xf32, #tpu.memory_space<vmem>> -> memref<128x64xf32, #tpu.memory_space<vmem>>
    %dma_wait3A_105 = arith.constant 0 : i32
    %dma_wait3A_106 = tpu.memref_slice %arg7[%dma_wait3A_101, %dma_wait3A_105] : memref<4x128xi32, #tpu.memory_space<vmem>> -> memref<1x128xi32, #tpu.memory_space<vmem>>
    %dma_wait3A_107 = tpu.memref_squeeze %dma_wait3A_106 : memref<1x128xi32, #tpu.memory_space<vmem>> -> memref<128xi32, #tpu.memory_space<vmem>>
    %dma_wait3A_108 = arith.constant 0 : i32
    %dma_wait3A_109 = arith.constant 0 : i32
    %dma_wait3A_110 = tpu.memref_slice %arg4[%dma_wait3A_108, %dma_wait3A_109] : memref<1000000x64xf32, #tpu.memory_space<hbm>> -> memref<1000000x64xf32, #tpu.memory_space<hbm>>
    tpu.wait_indirect_dma semaphore(%arg12 : memref<!tpu.dma_semaphore, #tpu.memory_space<semaphore_mem>>) src(%dma_wait3A_110 : memref<1000000x64xf32, #tpu.memory_space<hbm>>) dst(%dma_wait3A_104 : memref<128x64xf32, #tpu.memory_space<vmem>>)
    %dma_wait3A_111 = arith.constant 1 : i32
    %dma_wait3A_112 = arith.constant 128 : i32
    %dma_wait3A_113 = arith.constant 0 : i32
    %dma_wait3A_114 = tpu.memref_slice %arg10[%dma_wait3A_112, %dma_wait3A_113] : memref<512x64xf32, #tpu.memory_space<vmem>> -> memref<128x64xf32, #tpu.memory_space<vmem>>
    %dma_wait3A_115 = arith.constant 0 : i32
    %dma_wait3A_116 = tpu.memref_slice %arg8[%dma_wait3A_111, %dma_wait3A_115] : memref<4x128xi32, #tpu.memory_space<vmem>> -> memref<1x128xi32, #tpu.memory_space<vmem>>
    %dma_wait3A_117 = tpu.memref_squeeze %dma_wait3A_116 : memref<1x128xi32, #tpu.memory_space<vmem>> -> memref<128xi32, #tpu.memory_space<vmem>>
    %dma_wait3A_118 = arith.constant 0 : i32
    %dma_wait3A_119 = arith.constant 0 : i32
    %dma_wait3A_120 = tpu.memref_slice %arg5[%dma_wait3A_118, %dma_wait3A_119] : memref<1000000x64xf32, #tpu.memory_space<hbm>> -> memref<1000000x64xf32, #tpu.memory_space<hbm>>
    tpu.wait_indirect_dma semaphore(%arg12 : memref<!tpu.dma_semaphore, #tpu.memory_space<semaphore_mem>>) src(%dma_wait3A_120 : memref<1000000x64xf32, #tpu.memory_space<hbm>>) dst(%dma_wait3A_114 : memref<128x64xf32, #tpu.memory_space<vmem>>)
    %dma_wait3A_121 = arith.constant 2 : i32
    %dma_wait3A_122 = arith.constant 256 : i32
    %dma_wait3A_123 = arith.constant 0 : i32
    %dma_wait3A_124 = tpu.memref_slice %arg9[%dma_wait3A_122, %dma_wait3A_123] : memref<512x64xf32, #tpu.memory_space<vmem>> -> memref<128x64xf32, #tpu.memory_space<vmem>>
    %dma_wait3A_125 = arith.constant 0 : i32
    %dma_wait3A_126 = tpu.memref_slice %arg7[%dma_wait3A_121, %dma_wait3A_125] : memref<4x128xi32, #tpu.memory_space<vmem>> -> memref<1x128xi32, #tpu.memory_space<vmem>>
    %dma_wait3A_127 = tpu.memref_squeeze %dma_wait3A_126 : memref<1x128xi32, #tpu.memory_space<vmem>> -> memref<128xi32, #tpu.memory_space<vmem>>
    %dma_wait3A_128 = arith.constant 0 : i32
    %dma_wait3A_129 = arith.constant 0 : i32
    %dma_wait3A_130 = tpu.memref_slice %arg4[%dma_wait3A_128, %dma_wait3A_129] : memref<1000000x64xf32, #tpu.memory_space<hbm>> -> memref<1000000x64xf32, #tpu.memory_space<hbm>>
    tpu.wait_indirect_dma semaphore(%arg12 : memref<!tpu.dma_semaphore, #tpu.memory_space<semaphore_mem>>) src(%dma_wait3A_130 : memref<1000000x64xf32, #tpu.memory_space<hbm>>) dst(%dma_wait3A_124 : memref<128x64xf32, #tpu.memory_space<vmem>>)
    %dma_wait3A_131 = arith.constant 2 : i32
    %dma_wait3A_132 = arith.constant 256 : i32
    %dma_wait3A_133 = arith.constant 0 : i32
    %dma_wait3A_134 = tpu.memref_slice %arg10[%dma_wait3A_132, %dma_wait3A_133] : memref<512x64xf32, #tpu.memory_space<vmem>> -> memref<128x64xf32, #tpu.memory_space<vmem>>
    %dma_wait3A_135 = arith.constant 0 : i32
    %dma_wait3A_136 = tpu.memref_slice %arg8[%dma_wait3A_131, %dma_wait3A_135] : memref<4x128xi32, #tpu.memory_space<vmem>> -> memref<1x128xi32, #tpu.memory_space<vmem>>
    %dma_wait3A_137 = tpu.memref_squeeze %dma_wait3A_136 : memref<1x128xi32, #tpu.memory_space<vmem>> -> memref<128xi32, #tpu.memory_space<vmem>>
    %dma_wait3A_138 = arith.constant 0 : i32
    %dma_wait3A_139 = arith.constant 0 : i32
    %dma_wait3A_140 = tpu.memref_slice %arg5[%dma_wait3A_138, %dma_wait3A_139] : memref<1000000x64xf32, #tpu.memory_space<hbm>> -> memref<1000000x64xf32, #tpu.memory_space<hbm>>
    tpu.wait_indirect_dma semaphore(%arg12 : memref<!tpu.dma_semaphore, #tpu.memory_space<semaphore_mem>>) src(%dma_wait3A_140 : memref<1000000x64xf32, #tpu.memory_space<hbm>>) dst(%dma_wait3A_134 : memref<128x64xf32, #tpu.memory_space<vmem>>)
    %dma_wait3A_141 = arith.constant 3 : i32
    %dma_wait3A_142 = arith.constant 384 : i32
    %dma_wait3A_143 = arith.constant 0 : i32
    %dma_wait3A_144 = tpu.memref_slice %arg9[%dma_wait3A_142, %dma_wait3A_143] : memref<512x64xf32, #tpu.memory_space<vmem>> -> memref<128x64xf32, #tpu.memory_space<vmem>>
    %dma_wait3A_145 = arith.constant 0 : i32
    %dma_wait3A_146 = tpu.memref_slice %arg7[%dma_wait3A_141, %dma_wait3A_145] : memref<4x128xi32, #tpu.memory_space<vmem>> -> memref<1x128xi32, #tpu.memory_space<vmem>>
    %dma_wait3A_147 = tpu.memref_squeeze %dma_wait3A_146 : memref<1x128xi32, #tpu.memory_space<vmem>> -> memref<128xi32, #tpu.memory_space<vmem>>
    %dma_wait3A_148 = arith.constant 0 : i32
    %dma_wait3A_149 = arith.constant 0 : i32
    %dma_wait3A_150 = tpu.memref_slice %arg4[%dma_wait3A_148, %dma_wait3A_149] : memref<1000000x64xf32, #tpu.memory_space<hbm>> -> memref<1000000x64xf32, #tpu.memory_space<hbm>>
    tpu.wait_indirect_dma semaphore(%arg12 : memref<!tpu.dma_semaphore, #tpu.memory_space<semaphore_mem>>) src(%dma_wait3A_150 : memref<1000000x64xf32, #tpu.memory_space<hbm>>) dst(%dma_wait3A_144 : memref<128x64xf32, #tpu.memory_space<vmem>>)
    %dma_wait3A_151 = arith.constant 3 : i32
    %dma_wait3A_152 = arith.constant 384 : i32
    %dma_wait3A_153 = arith.constant 0 : i32
    %dma_wait3A_154 = tpu.memref_slice %arg10[%dma_wait3A_152, %dma_wait3A_153] : memref<512x64xf32, #tpu.memory_space<vmem>> -> memref<128x64xf32, #tpu.memory_space<vmem>>
    %dma_wait3A_155 = arith.constant 0 : i32
    %dma_wait3A_156 = tpu.memref_slice %arg8[%dma_wait3A_151, %dma_wait3A_155] : memref<4x128xi32, #tpu.memory_space<vmem>> -> memref<1x128xi32, #tpu.memory_space<vmem>>
    %dma_wait3A_157 = tpu.memref_squeeze %dma_wait3A_156 : memref<1x128xi32, #tpu.memory_space<vmem>> -> memref<128xi32, #tpu.memory_space<vmem>>
    %dma_wait3A_158 = arith.constant 0 : i32
    %dma_wait3A_159 = arith.constant 0 : i32
    %dma_wait3A_160 = tpu.memref_slice %arg5[%dma_wait3A_158, %dma_wait3A_159] : memref<1000000x64xf32, #tpu.memory_space<hbm>> -> memref<1000000x64xf32, #tpu.memory_space<hbm>>
    tpu.wait_indirect_dma semaphore(%arg12 : memref<!tpu.dma_semaphore, #tpu.memory_space<semaphore_mem>>) src(%dma_wait3A_160 : memref<1000000x64xf32, #tpu.memory_space<hbm>>) dst(%dma_wait3A_154 : memref<128x64xf32, #tpu.memory_space<vmem>>)
    %iota3A = tpu.iota {dimensions = array<i32: 0>} : vector<16xi32>
    %scan3A = arith.constant 0 : i32
    %scan3A_161 = arith.constant 0 : i32
    %scan3A_162 = arith.constant 32 : i32
    %scan3A_163 = arith.addi %scan3A_161, %scan3A_162 : i32
    %scan3A_164 = arith.constant 1 : i32
    scf.for %scan3A_166 = %scan3A_161 to %scan3A_163 step %scan3A_164  : i32 {
      %mul3A_167 = arith.constant 16 : i32
      %mul3A_168 = arith.muli %scan3A_166, %mul3A_167 : i32
      %add3A_169 = vector.broadcast %mul3A_168 : i32 to vector<16xi32>
      %add3A_170 = arith.addi %add3A_169, %iota3A : vector<16xi32>
      %broadcast_in_dim3A = arith.constant 0.000000e+00 : f32
      %broadcast_in_dim3A_171 = vector.broadcast %broadcast_in_dim3A : f32 to vector<16xf32>
      %broadcast_in_dim3A_172 = arith.constant 0.000000e+00 : f32
      %broadcast_in_dim3A_173 = vector.broadcast %broadcast_in_dim3A_172 : f32 to vector<16xf32>
      %broadcast_in_dim3A_174 = arith.constant 0 : i32
      %broadcast_in_dim3A_175 = vector.broadcast %broadcast_in_dim3A_174 : i32 to vector<16xi32>
      %broadcast_in_dim3A_176 = arith.constant 1 : i32
      %broadcast_in_dim3A_177 = vector.broadcast %broadcast_in_dim3A_176 : i32 to vector<16xi32>
      %gather3A = tpu.vector_load_idx %arg9[%add3A_170, %broadcast_in_dim3A_175] : memref<512x64xf32, #tpu.memory_space<vmem>>[vector<16xi32>, vector<16xi32>], vector<16xf32>,
      %gather3A_178 = tpu.vector_load_idx %arg10[%add3A_170, %broadcast_in_dim3A_175] : memref<512x64xf32, #tpu.memory_space<vmem>>[vector<16xi32>, vector<16xi32>], vector<16xf32>,
      %mul3A_179 = arith.mulf %gather3A, %gather3A_178 : vector<16xf32>
      %add3A_180 = arith.addf %broadcast_in_dim3A_171, %mul3A_179 : vector<16xf32>
      %gather3A_181 = tpu.vector_load_idx %arg9[%add3A_170, %broadcast_in_dim3A_177] : memref<512x64xf32, #tpu.memory_space<vmem>>[vector<16xi32>, vector<16xi32>], vector<16xf32>,
      %gather3A_182 = tpu.vector_load_idx %arg10[%add3A_170, %broadcast_in_dim3A_177] : memref<512x64xf32, #tpu.memory_space<vmem>>[vector<16xi32>, vector<16xi32>], vector<16xf32>,
      %mul3A_183 = arith.mulf %gather3A_181, %gather3A_182 : vector<16xf32>
      %add3A_184 = arith.addf %broadcast_in_dim3A_173, %mul3A_183 : vector<16xf32>
      %broadcast_in_dim3A_185 = arith.constant 2 : i32
      %broadcast_in_dim3A_186 = vector.broadcast %broadcast_in_dim3A_185 : i32 to vector<16xi32>
      %broadcast_in_dim3A_187 = arith.constant 3 : i32
      %broadcast_in_dim3A_188 = vector.broadcast %broadcast_in_dim3A_187 : i32 to vector<16xi32>
      %gather3A_189 = tpu.vector_load_idx %arg9[%add3A_170, %broadcast_in_dim3A_186] : memref<512x64xf32, #tpu.memory_space<vmem>>[vector<16xi32>, vector<16xi32>], vector<16xf32>,
      %gather3A_190 = tpu.vector_load_idx %arg10[%add3A_170, %broadcast_in_dim3A_186] : memref<512x64xf32, #tpu.memory_space<vmem>>[vector<16xi32>, vector<16xi32>], vector<16xf32>,
      %mul3A_191 = arith.mulf %gather3A_189, %gather3A_190 : vector<16xf32>
      %add3A_192 = arith.addf %add3A_180, %mul3A_191 : vector<16xf32>
      %gather3A_193 = tpu.vector_load_idx %arg9[%add3A_170, %broadcast_in_dim3A_188] : memref<512x64xf32, #tpu.memory_space<vmem>>[vector<16xi32>, vector<16xi32>], vector<16xf32>,
      %gather3A_194 = tpu.vector_load_idx %arg10[%add3A_170, %broadcast_in_dim3A_188] : memref<512x64xf32, #tpu.memory_space<vmem>>[vector<16xi32>, vector<16xi32>], vector<16xf32>,
      %mul3A_195 = arith.mulf %gather3A_193, %gather3A_194 : vector<16xf32>
      %add3A_196 = arith.addf %add3A_184, %mul3A_195 : vector<16xf32>
      %broadcast_in_dim3A_197 = arith.constant 4 : i32
      %broadcast_in_dim3A_198 = vector.broadcast %broadcast_in_dim3A_197 : i32 to vector<16xi32>
      %broadcast_in_dim3A_199 = arith.constant 5 : i32
      %broadcast_in_dim3A_200 = vector.broadcast %broadcast_in_dim3A_199 : i32 to vector<16xi32>
      %gather3A_201 = tpu.vector_load_idx %arg9[%add3A_170, %broadcast_in_dim3A_198] : memref<512x64xf32, #tpu.memory_space<vmem>>[vector<16xi32>, vector<16xi32>], vector<16xf32>,
      %gather3A_202 = tpu.vector_load_idx %arg10[%add3A_170, %broadcast_in_dim3A_198] : memref<512x64xf32, #tpu.memory_space<vmem>>[vector<16xi32>, vector<16xi32>], vector<16xf32>,
      %mul3A_203 = arith.mulf %gather3A_201, %gather3A_202 : vector<16xf32>
      %add3A_204 = arith.addf %add3A_192, %mul3A_203 : vector<16xf32>
      %gather3A_205 = tpu.vector_load_idx %arg9[%add3A_170, %broadcast_in_dim3A_200] : memref<512x64xf32, #tpu.memory_space<vmem>>[vector<16xi32>, vector<16xi32>], vector<16xf32>,
      %gather3A_206 = tpu.vector_load_idx %arg10[%add3A_170, %broadcast_in_dim3A_200] : memref<512x64xf32, #tpu.memory_space<vmem>>[vector<16xi32>, vector<16xi32>], vector<16xf32>,
      %mul3A_207 = arith.mulf %gather3A_205, %gather3A_206 : vector<16xf32>
      %add3A_208 = arith.addf %add3A_196, %mul3A_207 : vector<16xf32>
      %broadcast_in_dim3A_209 = arith.constant 6 : i32
      %broadcast_in_dim3A_210 = vector.broadcast %broadcast_in_dim3A_209 : i32 to vector<16xi32>
      %broadcast_in_dim3A_211 = arith.constant 7 : i32
      %broadcast_in_dim3A_212 = vector.broadcast %broadcast_in_dim3A_211 : i32 to vector<16xi32>
      %gather3A_213 = tpu.vector_load_idx %arg9[%add3A_170, %broadcast_in_dim3A_210] : memref<512x64xf32, #tpu.memory_space<vmem>>[vector<16xi32>, vector<16xi32>], vector<16xf32>,
      %gather3A_214 = tpu.vector_load_idx %arg10[%add3A_170, %broadcast_in_dim3A_210] : memref<512x64xf32, #tpu.memory_space<vmem>>[vector<16xi32>, vector<16xi32>], vector<16xf32>,
      %mul3A_215 = arith.mulf %gather3A_213, %gather3A_214 : vector<16xf32>
      %add3A_216 = arith.addf %add3A_204, %mul3A_215 : vector<16xf32>
      %gather3A_217 = tpu.vector_load_idx %arg9[%add3A_170, %broadcast_in_dim3A_212] : memref<512x64xf32, #tpu.memory_space<vmem>>[vector<16xi32>, vector<16xi32>], vector<16xf32>,
      %gather3A_218 = tpu.vector_load_idx %arg10[%add3A_170, %broadcast_in_dim3A_212] : memref<512x64xf32, #tpu.memory_space<vmem>>[vector<16xi32>, vector<16xi32>], vector<16xf32>,
      %mul3A_219 = arith.mulf %gather3A_217, %gather3A_218 : vector<16xf32>
      %add3A_220 = arith.addf %add3A_208, %mul3A_219 : vector<16xf32>
      %broadcast_in_dim3A_221 = arith.constant 8 : i32
      %broadcast_in_dim3A_222 = vector.broadcast %broadcast_in_dim3A_221 : i32 to vector<16xi32>
      %broadcast_in_dim3A_223 = arith.constant 9 : i32
      %broadcast_in_dim3A_224 = vector.broadcast %broadcast_in_dim3A_223 : i32 to vector<16xi32>
      %gather3A_225 = tpu.vector_load_idx %arg9[%add3A_170, %broadcast_in_dim3A_222] : memref<512x64xf32, #tpu.memory_space<vmem>>[vector<16xi32>, vector<16xi32>], vector<16xf32>,
      %gather3A_226 = tpu.vector_load_idx %arg10[%add3A_170, %broadcast_in_dim3A_222] : memref<512x64xf32, #tpu.memory_space<vmem>>[vector<16xi32>, vector<16xi32>], vector<16xf32>,
      %mul3A_227 = arith.mulf %gather3A_225, %gather3A_226 : vector<16xf32>
      %add3A_228 = arith.addf %add3A_216, %mul3A_227 : vector<16xf32>
      %gather3A_229 = tpu.vector_load_idx %arg9[%add3A_170, %broadcast_in_dim3A_224] : memref<512x64xf32, #tpu.memory_space<vmem>>[vector<16xi32>, vector<16xi32>], vector<16xf32>,
      %gather3A_230 = tpu.vector_load_idx %arg10[%add3A_170, %broadcast_in_dim3A_224] : memref<512x64xf32, #tpu.memory_space<vmem>>[vector<16xi32>, vector<16xi32>], vector<16xf32>,
      %mul3A_231 = arith.mulf %gather3A_229, %gather3A_230 : vector<16xf32>
      %add3A_232 = arith.addf %add3A_220, %mul3A_231 : vector<16xf32>
      %broadcast_in_dim3A_233 = arith.constant 10 : i32
      %broadcast_in_dim3A_234 = vector.broadcast %broadcast_in_dim3A_233 : i32 to vector<16xi32>
      %broadcast_in_dim3A_235 = arith.constant 11 : i32
      %broadcast_in_dim3A_236 = vector.broadcast %broadcast_in_dim3A_235 : i32 to vector<16xi32>
      %gather3A_237 = tpu.vector_load_idx %arg9[%add3A_170, %broadcast_in_dim3A_234] : memref<512x64xf32, #tpu.memory_space<vmem>>[vector<16xi32>, vector<16xi32>], vector<16xf32>,
      %gather3A_238 = tpu.vector_load_idx %arg10[%add3A_170, %broadcast_in_dim3A_234] : memref<512x64xf32, #tpu.memory_space<vmem>>[vector<16xi32>, vector<16xi32>], vector<16xf32>,
      %mul3A_239 = arith.mulf %gather3A_237, %gather3A_238 : vector<16xf32>
      %add3A_240 = arith.addf %add3A_228, %mul3A_239 : vector<16xf32>
      %gather3A_241 = tpu.vector_load_idx %arg9[%add3A_170, %broadcast_in_dim3A_236] : memref<512x64xf32, #tpu.memory_space<vmem>>[vector<16xi32>, vector<16xi32>], vector<16xf32>,
      %gather3A_242 = tpu.vector_load_idx %arg10[%add3A_170, %broadcast_in_dim3A_236] : memref<512x64xf32, #tpu.memory_space<vmem>>[vector<16xi32>, vector<16xi32>], vector<16xf32>,
      %mul3A_243 = arith.mulf %gather3A_241, %gather3A_242 : vector<16xf32>
      %add3A_244 = arith.addf %add3A_232, %mul3A_243 : vector<16xf32>
      %broadcast_in_dim3A_245 = arith.constant 12 : i32
      %broadcast_in_dim3A_246 = vector.broadcast %broadcast_in_dim3A_245 : i32 to vector<16xi32>
      %broadcast_in_dim3A_247 = arith.constant 13 : i32
      %broadcast_in_dim3A_248 = vector.broadcast %broadcast_in_dim3A_247 : i32 to vector<16xi32>
      %gather3A_249 = tpu.vector_load_idx %arg9[%add3A_170, %broadcast_in_dim3A_246] : memref<512x64xf32, #tpu.memory_space<vmem>>[vector<16xi32>, vector<16xi32>], vector<16xf32>,
      %gather3A_250 = tpu.vector_load_idx %arg10[%add3A_170, %broadcast_in_dim3A_246] : memref<512x64xf32, #tpu.memory_space<vmem>>[vector<16xi32>, vector<16xi32>], vector<16xf32>,
      %mul3A_251 = arith.mulf %gather3A_249, %gather3A_250 : vector<16xf32>
      %add3A_252 = arith.addf %add3A_240, %mul3A_251 : vector<16xf32>
      %gather3A_253 = tpu.vector_load_idx %arg9[%add3A_170, %broadcast_in_dim3A_248] : memref<512x64xf32, #tpu.memory_space<vmem>>[vector<16xi32>, vector<16xi32>], vector<16xf32>,
      %gather3A_254 = tpu.vector_load_idx %arg10[%add3A_170, %broadcast_in_dim3A_248] : memref<512x64xf32, #tpu.memory_space<vmem>>[vector<16xi32>, vector<16xi32>], vector<16xf32>,
      %mul3A_255 = arith.mulf %gather3A_253, %gather3A_254 : vector<16xf32>
      %add3A_256 = arith.addf %add3A_244, %mul3A_255 : vector<16xf32>
      %broadcast_in_dim3A_257 = arith.constant 14 : i32
      %broadcast_in_dim3A_258 = vector.broadcast %broadcast_in_dim3A_257 : i32 to vector<16xi32>
      %broadcast_in_dim3A_259 = arith.constant 15 : i32
      %broadcast_in_dim3A_260 = vector.broadcast %broadcast_in_dim3A_259 : i32 to vector<16xi32>
      %gather3A_261 = tpu.vector_load_idx %arg9[%add3A_170, %broadcast_in_dim3A_258] : memref<512x64xf32, #tpu.memory_space<vmem>>[vector<16xi32>, vector<16xi32>], vector<16xf32>,
      %gather3A_262 = tpu.vector_load_idx %arg10[%add3A_170, %broadcast_in_dim3A_258] : memref<512x64xf32, #tpu.memory_space<vmem>>[vector<16xi32>, vector<16xi32>], vector<16xf32>,
      %mul3A_263 = arith.mulf %gather3A_261, %gather3A_262 : vector<16xf32>
      %add3A_264 = arith.addf %add3A_252, %mul3A_263 : vector<16xf32>
      %gather3A_265 = tpu.vector_load_idx %arg9[%add3A_170, %broadcast_in_dim3A_260] : memref<512x64xf32, #tpu.memory_space<vmem>>[vector<16xi32>, vector<16xi32>], vector<16xf32>,
      %gather3A_266 = tpu.vector_load_idx %arg10[%add3A_170, %broadcast_in_dim3A_260] : memref<512x64xf32, #tpu.memory_space<vmem>>[vector<16xi32>, vector<16xi32>], vector<16xf32>,
      %mul3A_267 = arith.mulf %gather3A_265, %gather3A_266 : vector<16xf32>
      %add3A_268 = arith.addf %add3A_256, %mul3A_267 : vector<16xf32>
      %broadcast_in_dim3A_269 = arith.constant 16 : i32
      %broadcast_in_dim3A_270 = vector.broadcast %broadcast_in_dim3A_269 : i32 to vector<16xi32>
      %broadcast_in_dim3A_271 = arith.constant 17 : i32
      %broadcast_in_dim3A_272 = vector.broadcast %broadcast_in_dim3A_271 : i32 to vector<16xi32>
      %gather3A_273 = tpu.vector_load_idx %arg9[%add3A_170, %broadcast_in_dim3A_270] : memref<512x64xf32, #tpu.memory_space<vmem>>[vector<16xi32>, vector<16xi32>], vector<16xf32>,
      %gather3A_274 = tpu.vector_load_idx %arg10[%add3A_170, %broadcast_in_dim3A_270] : memref<512x64xf32, #tpu.memory_space<vmem>>[vector<16xi32>, vector<16xi32>], vector<16xf32>,
      %mul3A_275 = arith.mulf %gather3A_273, %gather3A_274 : vector<16xf32>
      %add3A_276 = arith.addf %add3A_264, %mul3A_275 : vector<16xf32>
      %gather3A_277 = tpu.vector_load_idx %arg9[%add3A_170, %broadcast_in_dim3A_272] : memref<512x64xf32, #tpu.memory_space<vmem>>[vector<16xi32>, vector<16xi32>], vector<16xf32>,
      %gather3A_278 = tpu.vector_load_idx %arg10[%add3A_170, %broadcast_in_dim3A_272] : memref<512x64xf32, #tpu.memory_space<vmem>>[vector<16xi32>, vector<16xi32>], vector<16xf32>,
      %mul3A_279 = arith.mulf %gather3A_277, %gather3A_278 : vector<16xf32>
      %add3A_280 = arith.addf %add3A_268, %mul3A_279 : vector<16xf32>
      %broadcast_in_dim3A_281 = arith.constant 18 : i32
      %broadcast_in_dim3A_282 = vector.broadcast %broadcast_in_dim3A_281 : i32 to vector<16xi32>
      %broadcast_in_dim3A_283 = arith.constant 19 : i32
      %broadcast_in_dim3A_284 = vector.broadcast %broadcast_in_dim3A_283 : i32 to vector<16xi32>
      %gather3A_285 = tpu.vector_load_idx %arg9[%add3A_170, %broadcast_in_dim3A_282] : memref<512x64xf32, #tpu.memory_space<vmem>>[vector<16xi32>, vector<16xi32>], vector<16xf32>,
      %gather3A_286 = tpu.vector_load_idx %arg10[%add3A_170, %broadcast_in_dim3A_282] : memref<512x64xf32, #tpu.memory_space<vmem>>[vector<16xi32>, vector<16xi32>], vector<16xf32>,
      %mul3A_287 = arith.mulf %gather3A_285, %gather3A_286 : vector<16xf32>
      %add3A_288 = arith.addf %add3A_276, %mul3A_287 : vector<16xf32>
      %gather3A_289 = tpu.vector_load_idx %arg9[%add3A_170, %broadcast_in_dim3A_284] : memref<512x64xf32, #tpu.memory_space<vmem>>[vector<16xi32>, vector<16xi32>], vector<16xf32>,
      %gather3A_290 = tpu.vector_load_idx %arg10[%add3A_170, %broadcast_in_dim3A_284] : memref<512x64xf32, #tpu.memory_space<vmem>>[vector<16xi32>, vector<16xi32>], vector<16xf32>,
      %mul3A_291 = arith.mulf %gather3A_289, %gather3A_290 : vector<16xf32>
      %add3A_292 = arith.addf %add3A_280, %mul3A_291 : vector<16xf32>
      %broadcast_in_dim3A_293 = arith.constant 20 : i32
      %broadcast_in_dim3A_294 = vector.broadcast %broadcast_in_dim3A_293 : i32 to vector<16xi32>
      %broadcast_in_dim3A_295 = arith.constant 21 : i32
      %broadcast_in_dim3A_296 = vector.broadcast %broadcast_in_dim3A_295 : i32 to vector<16xi32>
      %gather3A_297 = tpu.vector_load_idx %arg9[%add3A_170, %broadcast_in_dim3A_294] : memref<512x64xf32, #tpu.memory_space<vmem>>[vector<16xi32>, vector<16xi32>], vector<16xf32>,
      %gather3A_298 = tpu.vector_load_idx %arg10[%add3A_170, %broadcast_in_dim3A_294] : memref<512x64xf32, #tpu.memory_space<vmem>>[vector<16xi32>, vector<16xi32>], vector<16xf32>,
      %mul3A_299 = arith.mulf %gather3A_297, %gather3A_298 : vector<16xf32>
      %add3A_300 = arith.addf %add3A_288, %mul3A_299 : vector<16xf32>
      %gather3A_301 = tpu.vector_load_idx %arg9[%add3A_170, %broadcast_in_dim3A_296] : memref<512x64xf32, #tpu.memory_space<vmem>>[vector<16xi32>, vector<16xi32>], vector<16xf32>,
      %gather3A_302 = tpu.vector_load_idx %arg10[%add3A_170, %broadcast_in_dim3A_296] : memref<512x64xf32, #tpu.memory_space<vmem>>[vector<16xi32>, vector<16xi32>], vector<16xf32>,
      %mul3A_303 = arith.mulf %gather3A_301, %gather3A_302 : vector<16xf32>
      %add3A_304 = arith.addf %add3A_292, %mul3A_303 : vector<16xf32>
      %broadcast_in_dim3A_305 = arith.constant 22 : i32
      %broadcast_in_dim3A_306 = vector.broadcast %broadcast_in_dim3A_305 : i32 to vector<16xi32>
      %broadcast_in_dim3A_307 = arith.constant 23 : i32
      %broadcast_in_dim3A_308 = vector.broadcast %broadcast_in_dim3A_307 : i32 to vector<16xi32>
      %gather3A_309 = tpu.vector_load_idx %arg9[%add3A_170, %broadcast_in_dim3A_306] : memref<512x64xf32, #tpu.memory_space<vmem>>[vector<16xi32>, vector<16xi32>], vector<16xf32>,
      %gather3A_310 = tpu.vector_load_idx %arg10[%add3A_170, %broadcast_in_dim3A_306] : memref<512x64xf32, #tpu.memory_space<vmem>>[vector<16xi32>, vector<16xi32>], vector<16xf32>,
      %mul3A_311 = arith.mulf %gather3A_309, %gather3A_310 : vector<16xf32>
      %add3A_312 = arith.addf %add3A_300, %mul3A_311 : vector<16xf32>
      %gather3A_313 = tpu.vector_load_idx %arg9[%add3A_170, %broadcast_in_dim3A_308] : memref<512x64xf32, #tpu.memory_space<vmem>>[vector<16xi32>, vector<16xi32>], vector<16xf32>,
      %gather3A_314 = tpu.vector_load_idx %arg10[%add3A_170, %broadcast_in_dim3A_308] : memref<512x64xf32, #tpu.memory_space<vmem>>[vector<16xi32>, vector<16xi32>], vector<16xf32>,
      %mul3A_315 = arith.mulf %gather3A_313, %gather3A_314 : vector<16xf32>
      %add3A_316 = arith.addf %add3A_304, %mul3A_315 : vector<16xf32>
      %broadcast_in_dim3A_317 = arith.constant 24 : i32
      %broadcast_in_dim3A_318 = vector.broadcast %broadcast_in_dim3A_317 : i32 to vector<16xi32>
      %broadcast_in_dim3A_319 = arith.constant 25 : i32
      %broadcast_in_dim3A_320 = vector.broadcast %broadcast_in_dim3A_319 : i32 to vector<16xi32>
      %gather3A_321 = tpu.vector_load_idx %arg9[%add3A_170, %broadcast_in_dim3A_318] : memref<512x64xf32, #tpu.memory_space<vmem>>[vector<16xi32>, vector<16xi32>], vector<16xf32>,
      %gather3A_322 = tpu.vector_load_idx %arg10[%add3A_170, %broadcast_in_dim3A_318] : memref<512x64xf32, #tpu.memory_space<vmem>>[vector<16xi32>, vector<16xi32>], vector<16xf32>,
      %mul3A_323 = arith.mulf %gather3A_321, %gather3A_322 : vector<16xf32>
      %add3A_324 = arith.addf %add3A_312, %mul3A_323 : vector<16xf32>
      %gather3A_325 = tpu.vector_load_idx %arg9[%add3A_170, %broadcast_in_dim3A_320] : memref<512x64xf32, #tpu.memory_space<vmem>>[vector<16xi32>, vector<16xi32>], vector<16xf32>,
      %gather3A_326 = tpu.vector_load_idx %arg10[%add3A_170, %broadcast_in_dim3A_320] : memref<512x64xf32, #tpu.memory_space<vmem>>[vector<16xi32>, vector<16xi32>], vector<16xf32>,
      %mul3A_327 = arith.mulf %gather3A_325, %gather3A_326 : vector<16xf32>
      %add3A_328 = arith.addf %add3A_316, %mul3A_327 : vector<16xf32>
      %broadcast_in_dim3A_329 = arith.constant 26 : i32
      %broadcast_in_dim3A_330 = vector.broadcast %broadcast_in_dim3A_329 : i32 to vector<16xi32>
      %broadcast_in_dim3A_331 = arith.constant 27 : i32
      %broadcast_in_dim3A_332 = vector.broadcast %broadcast_in_dim3A_331 : i32 to vector<16xi32>
      %gather3A_333 = tpu.vector_load_idx %arg9[%add3A_170, %broadcast_in_dim3A_330] : memref<512x64xf32, #tpu.memory_space<vmem>>[vector<16xi32>, vector<16xi32>], vector<16xf32>,
      %gather3A_334 = tpu.vector_load_idx %arg10[%add3A_170, %broadcast_in_dim3A_330] : memref<512x64xf32, #tpu.memory_space<vmem>>[vector<16xi32>, vector<16xi32>], vector<16xf32>,
      %mul3A_335 = arith.mulf %gather3A_333, %gather3A_334 : vector<16xf32>
      %add3A_336 = arith.addf %add3A_324, %mul3A_335 : vector<16xf32>
      %gather3A_337 = tpu.vector_load_idx %arg9[%add3A_170, %broadcast_in_dim3A_332] : memref<512x64xf32, #tpu.memory_space<vmem>>[vector<16xi32>, vector<16xi32>], vector<16xf32>,
      %gather3A_338 = tpu.vector_load_idx %arg10[%add3A_170, %broadcast_in_dim3A_332] : memref<512x64xf32, #tpu.memory_space<vmem>>[vector<16xi32>, vector<16xi32>], vector<16xf32>,
      %mul3A_339 = arith.mulf %gather3A_337, %gather3A_338 : vector<16xf32>
      %add3A_340 = arith.addf %add3A_328, %mul3A_339 : vector<16xf32>
      %broadcast_in_dim3A_341 = arith.constant 28 : i32
      %broadcast_in_dim3A_342 = vector.broadcast %broadcast_in_dim3A_341 : i32 to vector<16xi32>
      %broadcast_in_dim3A_343 = arith.constant 29 : i32
      %broadcast_in_dim3A_344 = vector.broadcast %broadcast_in_dim3A_343 : i32 to vector<16xi32>
      %gather3A_345 = tpu.vector_load_idx %arg9[%add3A_170, %broadcast_in_dim3A_342] : memref<512x64xf32, #tpu.memory_space<vmem>>[vector<16xi32>, vector<16xi32>], vector<16xf32>,
      %gather3A_346 = tpu.vector_load_idx %arg10[%add3A_170, %broadcast_in_dim3A_342] : memref<512x64xf32, #tpu.memory_space<vmem>>[vector<16xi32>, vector<16xi32>], vector<16xf32>,
      %mul3A_347 = arith.mulf %gather3A_345, %gather3A_346 : vector<16xf32>
      %add3A_348 = arith.addf %add3A_336, %mul3A_347 : vector<16xf32>
      %gather3A_349 = tpu.vector_load_idx %arg9[%add3A_170, %broadcast_in_dim3A_344] : memref<512x64xf32, #tpu.memory_space<vmem>>[vector<16xi32>, vector<16xi32>], vector<16xf32>,
      %gather3A_350 = tpu.vector_load_idx %arg10[%add3A_170, %broadcast_in_dim3A_344] : memref<512x64xf32, #tpu.memory_space<vmem>>[vector<16xi32>, vector<16xi32>], vector<16xf32>,
      %mul3A_351 = arith.mulf %gather3A_349, %gather3A_350 : vector<16xf32>
      %add3A_352 = arith.addf %add3A_340, %mul3A_351 : vector<16xf32>
      %broadcast_in_dim3A_353 = arith.constant 30 : i32
      %broadcast_in_dim3A_354 = vector.broadcast %broadcast_in_dim3A_353 : i32 to vector<16xi32>
      %broadcast_in_dim3A_355 = arith.constant 31 : i32
      %broadcast_in_dim3A_356 = vector.broadcast %broadcast_in_dim3A_355 : i32 to vector<16xi32>
      %gather3A_357 = tpu.vector_load_idx %arg9[%add3A_170, %broadcast_in_dim3A_354] : memref<512x64xf32, #tpu.memory_space<vmem>>[vector<16xi32>, vector<16xi32>], vector<16xf32>,
      %gather3A_358 = tpu.vector_load_idx %arg10[%add3A_170, %broadcast_in_dim3A_354] : memref<512x64xf32, #tpu.memory_space<vmem>>[vector<16xi32>, vector<16xi32>], vector<16xf32>,
      %mul3A_359 = arith.mulf %gather3A_357, %gather3A_358 : vector<16xf32>
      %add3A_360 = arith.addf %add3A_348, %mul3A_359 : vector<16xf32>
      %gather3A_361 = tpu.vector_load_idx %arg9[%add3A_170, %broadcast_in_dim3A_356] : memref<512x64xf32, #tpu.memory_space<vmem>>[vector<16xi32>, vector<16xi32>], vector<16xf32>,
      %gather3A_362 = tpu.vector_load_idx %arg10[%add3A_170, %broadcast_in_dim3A_356] : memref<512x64xf32, #tpu.memory_space<vmem>>[vector<16xi32>, vector<16xi32>], vector<16xf32>,
      %mul3A_363 = arith.mulf %gather3A_361, %gather3A_362 : vector<16xf32>
      %add3A_364 = arith.addf %add3A_352, %mul3A_363 : vector<16xf32>
      %broadcast_in_dim3A_365 = arith.constant 32 : i32
      %broadcast_in_dim3A_366 = vector.broadcast %broadcast_in_dim3A_365 : i32 to vector<16xi32>
      %broadcast_in_dim3A_367 = arith.constant 33 : i32
      %broadcast_in_dim3A_368 = vector.broadcast %broadcast_in_dim3A_367 : i32 to vector<16xi32>
      %gather3A_369 = tpu.vector_load_idx %arg9[%add3A_170, %broadcast_in_dim3A_366] : memref<512x64xf32, #tpu.memory_space<vmem>>[vector<16xi32>, vector<16xi32>], vector<16xf32>,
      %gather3A_370 = tpu.vector_load_idx %arg10[%add3A_170, %broadcast_in_dim3A_366] : memref<512x64xf32, #tpu.memory_space<vmem>>[vector<16xi32>, vector<16xi32>], vector<16xf32>,
      %mul3A_371 = arith.mulf %gather3A_369, %gather3A_370 : vector<16xf32>
      %add3A_372 = arith.addf %add3A_360, %mul3A_371 : vector<16xf32>
      %gather3A_373 = tpu.vector_load_idx %arg9[%add3A_170, %broadcast_in_dim3A_368] : memref<512x64xf32, #tpu.memory_space<vmem>>[vector<16xi32>, vector<16xi32>], vector<16xf32>,
      %gather3A_374 = tpu.vector_load_idx %arg10[%add3A_170, %broadcast_in_dim3A_368] : memref<512x64xf32, #tpu.memory_space<vmem>>[vector<16xi32>, vector<16xi32>], vector<16xf32>,
      %mul3A_375 = arith.mulf %gather3A_373, %gather3A_374 : vector<16xf32>
      %add3A_376 = arith.addf %add3A_364, %mul3A_375 : vector<16xf32>
      %broadcast_in_dim3A_377 = arith.constant 34 : i32
      %broadcast_in_dim3A_378 = vector.broadcast %broadcast_in_dim3A_377 : i32 to vector<16xi32>
      %broadcast_in_dim3A_379 = arith.constant 35 : i32
      %broadcast_in_dim3A_380 = vector.broadcast %broadcast_in_dim3A_379 : i32 to vector<16xi32>
      %gather3A_381 = tpu.vector_load_idx %arg9[%add3A_170, %broadcast_in_dim3A_378] : memref<512x64xf32, #tpu.memory_space<vmem>>[vector<16xi32>, vector<16xi32>], vector<16xf32>,
      %gather3A_382 = tpu.vector_load_idx %arg10[%add3A_170, %broadcast_in_dim3A_378] : memref<512x64xf32, #tpu.memory_space<vmem>>[vector<16xi32>, vector<16xi32>], vector<16xf32>,
      %mul3A_383 = arith.mulf %gather3A_381, %gather3A_382 : vector<16xf32>
      %add3A_384 = arith.addf %add3A_372, %mul3A_383 : vector<16xf32>
      %gather3A_385 = tpu.vector_load_idx %arg9[%add3A_170, %broadcast_in_dim3A_380] : memref<512x64xf32, #tpu.memory_space<vmem>>[vector<16xi32>, vector<16xi32>], vector<16xf32>,
      %gather3A_386 = tpu.vector_load_idx %arg10[%add3A_170, %broadcast_in_dim3A_380] : memref<512x64xf32, #tpu.memory_space<vmem>>[vector<16xi32>, vector<16xi32>], vector<16xf32>,
      %mul3A_387 = arith.mulf %gather3A_385, %gather3A_386 : vector<16xf32>
      %add3A_388 = arith.addf %add3A_376, %mul3A_387 : vector<16xf32>
      %broadcast_in_dim3A_389 = arith.constant 36 : i32
      %broadcast_in_dim3A_390 = vector.broadcast %broadcast_in_dim3A_389 : i32 to vector<16xi32>
      %broadcast_in_dim3A_391 = arith.constant 37 : i32
      %broadcast_in_dim3A_392 = vector.broadcast %broadcast_in_dim3A_391 : i32 to vector<16xi32>
      %gather3A_393 = tpu.vector_load_idx %arg9[%add3A_170, %broadcast_in_dim3A_390] : memref<512x64xf32, #tpu.memory_space<vmem>>[vector<16xi32>, vector<16xi32>], vector<16xf32>,
      %gather3A_394 = tpu.vector_load_idx %arg10[%add3A_170, %broadcast_in_dim3A_390] : memref<512x64xf32, #tpu.memory_space<vmem>>[vector<16xi32>, vector<16xi32>], vector<16xf32>,
      %mul3A_395 = arith.mulf %gather3A_393, %gather3A_394 : vector<16xf32>
      %add3A_396 = arith.addf %add3A_384, %mul3A_395 : vector<16xf32>
      %gather3A_397 = tpu.vector_load_idx %arg9[%add3A_170, %broadcast_in_dim3A_392] : memref<512x64xf32, #tpu.memory_space<vmem>>[vector<16xi32>, vector<16xi32>], vector<16xf32>,
      %gather3A_398 = tpu.vector_load_idx %arg10[%add3A_170, %broadcast_in_dim3A_392] : memref<512x64xf32, #tpu.memory_space<vmem>>[vector<16xi32>, vector<16xi32>], vector<16xf32>,
      %mul3A_399 = arith.mulf %gather3A_397, %gather3A_398 : vector<16xf32>
      %add3A_400 = arith.addf %add3A_388, %mul3A_399 : vector<16xf32>
      %broadcast_in_dim3A_401 = arith.constant 38 : i32
      %broadcast_in_dim3A_402 = vector.broadcast %broadcast_in_dim3A_401 : i32 to vector<16xi32>
      %broadcast_in_dim3A_403 = arith.constant 39 : i32
      %broadcast_in_dim3A_404 = vector.broadcast %broadcast_in_dim3A_403 : i32 to vector<16xi32>
      %gather3A_405 = tpu.vector_load_idx %arg9[%add3A_170, %broadcast_in_dim3A_402] : memref<512x64xf32, #tpu.memory_space<vmem>>[vector<16xi32>, vector<16xi32>], vector<16xf32>,
      %gather3A_406 = tpu.vector_load_idx %arg10[%add3A_170, %broadcast_in_dim3A_402] : memref<512x64xf32, #tpu.memory_space<vmem>>[vector<16xi32>, vector<16xi32>], vector<16xf32>,
      %mul3A_407 = arith.mulf %gather3A_405, %gather3A_406 : vector<16xf32>
      %add3A_408 = arith.addf %add3A_396, %mul3A_407 : vector<16xf32>
      %gather3A_409 = tpu.vector_load_idx %arg9[%add3A_170, %broadcast_in_dim3A_404] : memref<512x64xf32, #tpu.memory_space<vmem>>[vector<16xi32>, vector<16xi32>], vector<16xf32>,
      %gather3A_410 = tpu.vector_load_idx %arg10[%add3A_170, %broadcast_in_dim3A_404] : memref<512x64xf32, #tpu.memory_space<vmem>>[vector<16xi32>, vector<16xi32>], vector<16xf32>,
      %mul3A_411 = arith.mulf %gather3A_409, %gather3A_410 : vector<16xf32>
      %add3A_412 = arith.addf %add3A_400, %mul3A_411 : vector<16xf32>
      %broadcast_in_dim3A_413 = arith.constant 40 : i32
      %broadcast_in_dim3A_414 = vector.broadcast %broadcast_in_dim3A_413 : i32 to vector<16xi32>
      %broadcast_in_dim3A_415 = arith.constant 41 : i32
      %broadcast_in_dim3A_416 = vector.broadcast %broadcast_in_dim3A_415 : i32 to vector<16xi32>
      %gather3A_417 = tpu.vector_load_idx %arg9[%add3A_170, %broadcast_in_dim3A_414] : memref<512x64xf32, #tpu.memory_space<vmem>>[vector<16xi32>, vector<16xi32>], vector<16xf32>,
      %gather3A_418 = tpu.vector_load_idx %arg10[%add3A_170, %broadcast_in_dim3A_414] : memref<512x64xf32, #tpu.memory_space<vmem>>[vector<16xi32>, vector<16xi32>], vector<16xf32>,
      %mul3A_419 = arith.mulf %gather3A_417, %gather3A_418 : vector<16xf32>
      %add3A_420 = arith.addf %add3A_408, %mul3A_419 : vector<16xf32>
      %gather3A_421 = tpu.vector_load_idx %arg9[%add3A_170, %broadcast_in_dim3A_416] : memref<512x64xf32, #tpu.memory_space<vmem>>[vector<16xi32>, vector<16xi32>], vector<16xf32>,
      %gather3A_422 = tpu.vector_load_idx %arg10[%add3A_170, %broadcast_in_dim3A_416] : memref<512x64xf32, #tpu.memory_space<vmem>>[vector<16xi32>, vector<16xi32>], vector<16xf32>,
      %mul3A_423 = arith.mulf %gather3A_421, %gather3A_422 : vector<16xf32>
      %add3A_424 = arith.addf %add3A_412, %mul3A_423 : vector<16xf32>
      %broadcast_in_dim3A_425 = arith.constant 42 : i32
      %broadcast_in_dim3A_426 = vector.broadcast %broadcast_in_dim3A_425 : i32 to vector<16xi32>
      %broadcast_in_dim3A_427 = arith.constant 43 : i32
      %broadcast_in_dim3A_428 = vector.broadcast %broadcast_in_dim3A_427 : i32 to vector<16xi32>
      %gather3A_429 = tpu.vector_load_idx %arg9[%add3A_170, %broadcast_in_dim3A_426] : memref<512x64xf32, #tpu.memory_space<vmem>>[vector<16xi32>, vector<16xi32>], vector<16xf32>,
      %gather3A_430 = tpu.vector_load_idx %arg10[%add3A_170, %broadcast_in_dim3A_426] : memref<512x64xf32, #tpu.memory_space<vmem>>[vector<16xi32>, vector<16xi32>], vector<16xf32>,
      %mul3A_431 = arith.mulf %gather3A_429, %gather3A_430 : vector<16xf32>
      %add3A_432 = arith.addf %add3A_420, %mul3A_431 : vector<16xf32>
      %gather3A_433 = tpu.vector_load_idx %arg9[%add3A_170, %broadcast_in_dim3A_428] : memref<512x64xf32, #tpu.memory_space<vmem>>[vector<16xi32>, vector<16xi32>], vector<16xf32>,
      %gather3A_434 = tpu.vector_load_idx %arg10[%add3A_170, %broadcast_in_dim3A_428] : memref<512x64xf32, #tpu.memory_space<vmem>>[vector<16xi32>, vector<16xi32>], vector<16xf32>,
      %mul3A_435 = arith.mulf %gather3A_433, %gather3A_434 : vector<16xf32>
      %add3A_436 = arith.addf %add3A_424, %mul3A_435 : vector<16xf32>
      %broadcast_in_dim3A_437 = arith.constant 44 : i32
      %broadcast_in_dim3A_438 = vector.broadcast %broadcast_in_dim3A_437 : i32 to vector<16xi32>
      %broadcast_in_dim3A_439 = arith.constant 45 : i32
      %broadcast_in_dim3A_440 = vector.broadcast %broadcast_in_dim3A_439 : i32 to vector<16xi32>
      %gather3A_441 = tpu.vector_load_idx %arg9[%add3A_170, %broadcast_in_dim3A_438] : memref<512x64xf32, #tpu.memory_space<vmem>>[vector<16xi32>, vector<16xi32>], vector<16xf32>,
      %gather3A_442 = tpu.vector_load_idx %arg10[%add3A_170, %broadcast_in_dim3A_438] : memref<512x64xf32, #tpu.memory_space<vmem>>[vector<16xi32>, vector<16xi32>], vector<16xf32>,
      %mul3A_443 = arith.mulf %gather3A_441, %gather3A_442 : vector<16xf32>
      %add3A_444 = arith.addf %add3A_432, %mul3A_443 : vector<16xf32>
      %gather3A_445 = tpu.vector_load_idx %arg9[%add3A_170, %broadcast_in_dim3A_440] : memref<512x64xf32, #tpu.memory_space<vmem>>[vector<16xi32>, vector<16xi32>], vector<16xf32>,
      %gather3A_446 = tpu.vector_load_idx %arg10[%add3A_170, %broadcast_in_dim3A_440] : memref<512x64xf32, #tpu.memory_space<vmem>>[vector<16xi32>, vector<16xi32>], vector<16xf32>,
      %mul3A_447 = arith.mulf %gather3A_445, %gather3A_446 : vector<16xf32>
      %add3A_448 = arith.addf %add3A_436, %mul3A_447 : vector<16xf32>
      %broadcast_in_dim3A_449 = arith.constant 46 : i32
      %broadcast_in_dim3A_450 = vector.broadcast %broadcast_in_dim3A_449 : i32 to vector<16xi32>
      %broadcast_in_dim3A_451 = arith.constant 47 : i32
      %broadcast_in_dim3A_452 = vector.broadcast %broadcast_in_dim3A_451 : i32 to vector<16xi32>
      %gather3A_453 = tpu.vector_load_idx %arg9[%add3A_170, %broadcast_in_dim3A_450] : memref<512x64xf32, #tpu.memory_space<vmem>>[vector<16xi32>, vector<16xi32>], vector<16xf32>,
      %gather3A_454 = tpu.vector_load_idx %arg10[%add3A_170, %broadcast_in_dim3A_450] : memref<512x64xf32, #tpu.memory_space<vmem>>[vector<16xi32>, vector<16xi32>], vector<16xf32>,
      %mul3A_455 = arith.mulf %gather3A_453, %gather3A_454 : vector<16xf32>
      %add3A_456 = arith.addf %add3A_444, %mul3A_455 : vector<16xf32>
      %gather3A_457 = tpu.vector_load_idx %arg9[%add3A_170, %broadcast_in_dim3A_452] : memref<512x64xf32, #tpu.memory_space<vmem>>[vector<16xi32>, vector<16xi32>], vector<16xf32>,
      %gather3A_458 = tpu.vector_load_idx %arg10[%add3A_170, %broadcast_in_dim3A_452] : memref<512x64xf32, #tpu.memory_space<vmem>>[vector<16xi32>, vector<16xi32>], vector<16xf32>,
      %mul3A_459 = arith.mulf %gather3A_457, %gather3A_458 : vector<16xf32>
      %add3A_460 = arith.addf %add3A_448, %mul3A_459 : vector<16xf32>
      %broadcast_in_dim3A_461 = arith.constant 48 : i32
      %broadcast_in_dim3A_462 = vector.broadcast %broadcast_in_dim3A_461 : i32 to vector<16xi32>
      %broadcast_in_dim3A_463 = arith.constant 49 : i32
      %broadcast_in_dim3A_464 = vector.broadcast %broadcast_in_dim3A_463 : i32 to vector<16xi32>
      %gather3A_465 = tpu.vector_load_idx %arg9[%add3A_170, %broadcast_in_dim3A_462] : memref<512x64xf32, #tpu.memory_space<vmem>>[vector<16xi32>, vector<16xi32>], vector<16xf32>,
      %gather3A_466 = tpu.vector_load_idx %arg10[%add3A_170, %broadcast_in_dim3A_462] : memref<512x64xf32, #tpu.memory_space<vmem>>[vector<16xi32>, vector<16xi32>], vector<16xf32>,
      %mul3A_467 = arith.mulf %gather3A_465, %gather3A_466 : vector<16xf32>
      %add3A_468 = arith.addf %add3A_456, %mul3A_467 : vector<16xf32>
      %gather3A_469 = tpu.vector_load_idx %arg9[%add3A_170, %broadcast_in_dim3A_464] : memref<512x64xf32, #tpu.memory_space<vmem>>[vector<16xi32>, vector<16xi32>], vector<16xf32>,
      %gather3A_470 = tpu.vector_load_idx %arg10[%add3A_170, %broadcast_in_dim3A_464] : memref<512x64xf32, #tpu.memory_space<vmem>>[vector<16xi32>, vector<16xi32>], vector<16xf32>,
      %mul3A_471 = arith.mulf %gather3A_469, %gather3A_470 : vector<16xf32>
      %add3A_472 = arith.addf %add3A_460, %mul3A_471 : vector<16xf32>
      %broadcast_in_dim3A_473 = arith.constant 50 : i32
      %broadcast_in_dim3A_474 = vector.broadcast %broadcast_in_dim3A_473 : i32 to vector<16xi32>
      %broadcast_in_dim3A_475 = arith.constant 51 : i32
      %broadcast_in_dim3A_476 = vector.broadcast %broadcast_in_dim3A_475 : i32 to vector<16xi32>
      %gather3A_477 = tpu.vector_load_idx %arg9[%add3A_170, %broadcast_in_dim3A_474] : memref<512x64xf32, #tpu.memory_space<vmem>>[vector<16xi32>, vector<16xi32>], vector<16xf32>,
      %gather3A_478 = tpu.vector_load_idx %arg10[%add3A_170, %broadcast_in_dim3A_474] : memref<512x64xf32, #tpu.memory_space<vmem>>[vector<16xi32>, vector<16xi32>], vector<16xf32>,
      %mul3A_479 = arith.mulf %gather3A_477, %gather3A_478 : vector<16xf32>
      %add3A_480 = arith.addf %add3A_468, %mul3A_479 : vector<16xf32>
      %gather3A_481 = tpu.vector_load_idx %arg9[%add3A_170, %broadcast_in_dim3A_476] : memref<512x64xf32, #tpu.memory_space<vmem>>[vector<16xi32>, vector<16xi32>], vector<16xf32>,
      %gather3A_482 = tpu.vector_load_idx %arg10[%add3A_170, %broadcast_in_dim3A_476] : memref<512x64xf32, #tpu.memory_space<vmem>>[vector<16xi32>, vector<16xi32>], vector<16xf32>,
      %mul3A_483 = arith.mulf %gather3A_481, %gather3A_482 : vector<16xf32>
      %add3A_484 = arith.addf %add3A_472, %mul3A_483 : vector<16xf32>
      %broadcast_in_dim3A_485 = arith.constant 52 : i32
      %broadcast_in_dim3A_486 = vector.broadcast %broadcast_in_dim3A_485 : i32 to vector<16xi32>
      %broadcast_in_dim3A_487 = arith.constant 53 : i32
      %broadcast_in_dim3A_488 = vector.broadcast %broadcast_in_dim3A_487 : i32 to vector<16xi32>
      %gather3A_489 = tpu.vector_load_idx %arg9[%add3A_170, %broadcast_in_dim3A_486] : memref<512x64xf32, #tpu.memory_space<vmem>>[vector<16xi32>, vector<16xi32>], vector<16xf32>,
      %gather3A_490 = tpu.vector_load_idx %arg10[%add3A_170, %broadcast_in_dim3A_486] : memref<512x64xf32, #tpu.memory_space<vmem>>[vector<16xi32>, vector<16xi32>], vector<16xf32>,
      %mul3A_491 = arith.mulf %gather3A_489, %gather3A_490 : vector<16xf32>
      %add3A_492 = arith.addf %add3A_480, %mul3A_491 : vector<16xf32>
      %gather3A_493 = tpu.vector_load_idx %arg9[%add3A_170, %broadcast_in_dim3A_488] : memref<512x64xf32, #tpu.memory_space<vmem>>[vector<16xi32>, vector<16xi32>], vector<16xf32>,
      %gather3A_494 = tpu.vector_load_idx %arg10[%add3A_170, %broadcast_in_dim3A_488] : memref<512x64xf32, #tpu.memory_space<vmem>>[vector<16xi32>, vector<16xi32>], vector<16xf32>,
      %mul3A_495 = arith.mulf %gather3A_493, %gather3A_494 : vector<16xf32>
      %add3A_496 = arith.addf %add3A_484, %mul3A_495 : vector<16xf32>
      %broadcast_in_dim3A_497 = arith.constant 54 : i32
      %broadcast_in_dim3A_498 = vector.broadcast %broadcast_in_dim3A_497 : i32 to vector<16xi32>
      %broadcast_in_dim3A_499 = arith.constant 55 : i32
      %broadcast_in_dim3A_500 = vector.broadcast %broadcast_in_dim3A_499 : i32 to vector<16xi32>
      %gather3A_501 = tpu.vector_load_idx %arg9[%add3A_170, %broadcast_in_dim3A_498] : memref<512x64xf32, #tpu.memory_space<vmem>>[vector<16xi32>, vector<16xi32>], vector<16xf32>,
      %gather3A_502 = tpu.vector_load_idx %arg10[%add3A_170, %broadcast_in_dim3A_498] : memref<512x64xf32, #tpu.memory_space<vmem>>[vector<16xi32>, vector<16xi32>], vector<16xf32>,
      %mul3A_503 = arith.mulf %gather3A_501, %gather3A_502 : vector<16xf32>
      %add3A_504 = arith.addf %add3A_492, %mul3A_503 : vector<16xf32>
      %gather3A_505 = tpu.vector_load_idx %arg9[%add3A_170, %broadcast_in_dim3A_500] : memref<512x64xf32, #tpu.memory_space<vmem>>[vector<16xi32>, vector<16xi32>], vector<16xf32>,
      %gather3A_506 = tpu.vector_load_idx %arg10[%add3A_170, %broadcast_in_dim3A_500] : memref<512x64xf32, #tpu.memory_space<vmem>>[vector<16xi32>, vector<16xi32>], vector<16xf32>,
      %mul3A_507 = arith.mulf %gather3A_505, %gather3A_506 : vector<16xf32>
      %add3A_508 = arith.addf %add3A_496, %mul3A_507 : vector<16xf32>
      %broadcast_in_dim3A_509 = arith.constant 56 : i32
      %broadcast_in_dim3A_510 = vector.broadcast %broadcast_in_dim3A_509 : i32 to vector<16xi32>
      %broadcast_in_dim3A_511 = arith.constant 57 : i32
      %broadcast_in_dim3A_512 = vector.broadcast %broadcast_in_dim3A_511 : i32 to vector<16xi32>
      %gather3A_513 = tpu.vector_load_idx %arg9[%add3A_170, %broadcast_in_dim3A_510] : memref<512x64xf32, #tpu.memory_space<vmem>>[vector<16xi32>, vector<16xi32>], vector<16xf32>,
      %gather3A_514 = tpu.vector_load_idx %arg10[%add3A_170, %broadcast_in_dim3A_510] : memref<512x64xf32, #tpu.memory_space<vmem>>[vector<16xi32>, vector<16xi32>], vector<16xf32>,
      %mul3A_515 = arith.mulf %gather3A_513, %gather3A_514 : vector<16xf32>
      %add3A_516 = arith.addf %add3A_504, %mul3A_515 : vector<16xf32>
      %gather3A_517 = tpu.vector_load_idx %arg9[%add3A_170, %broadcast_in_dim3A_512] : memref<512x64xf32, #tpu.memory_space<vmem>>[vector<16xi32>, vector<16xi32>], vector<16xf32>,
      %gather3A_518 = tpu.vector_load_idx %arg10[%add3A_170, %broadcast_in_dim3A_512] : memref<512x64xf32, #tpu.memory_space<vmem>>[vector<16xi32>, vector<16xi32>], vector<16xf32>,
      %mul3A_519 = arith.mulf %gather3A_517, %gather3A_518 : vector<16xf32>
      %add3A_520 = arith.addf %add3A_508, %mul3A_519 : vector<16xf32>
      %broadcast_in_dim3A_521 = arith.constant 58 : i32
      %broadcast_in_dim3A_522 = vector.broadcast %broadcast_in_dim3A_521 : i32 to vector<16xi32>
      %broadcast_in_dim3A_523 = arith.constant 59 : i32
      %broadcast_in_dim3A_524 = vector.broadcast %broadcast_in_dim3A_523 : i32 to vector<16xi32>
      %gather3A_525 = tpu.vector_load_idx %arg9[%add3A_170, %broadcast_in_dim3A_522] : memref<512x64xf32, #tpu.memory_space<vmem>>[vector<16xi32>, vector<16xi32>], vector<16xf32>,
      %gather3A_526 = tpu.vector_load_idx %arg10[%add3A_170, %broadcast_in_dim3A_522] : memref<512x64xf32, #tpu.memory_space<vmem>>[vector<16xi32>, vector<16xi32>], vector<16xf32>,
      %mul3A_527 = arith.mulf %gather3A_525, %gather3A_526 : vector<16xf32>
      %add3A_528 = arith.addf %add3A_516, %mul3A_527 : vector<16xf32>
      %gather3A_529 = tpu.vector_load_idx %arg9[%add3A_170, %broadcast_in_dim3A_524] : memref<512x64xf32, #tpu.memory_space<vmem>>[vector<16xi32>, vector<16xi32>], vector<16xf32>,
      %gather3A_530 = tpu.vector_load_idx %arg10[%add3A_170, %broadcast_in_dim3A_524] : memref<512x64xf32, #tpu.memory_space<vmem>>[vector<16xi32>, vector<16xi32>], vector<16xf32>,
      %mul3A_531 = arith.mulf %gather3A_529, %gather3A_530 : vector<16xf32>
      %add3A_532 = arith.addf %add3A_520, %mul3A_531 : vector<16xf32>
      %broadcast_in_dim3A_533 = arith.constant 60 : i32
      %broadcast_in_dim3A_534 = vector.broadcast %broadcast_in_dim3A_533 : i32 to vector<16xi32>
      %broadcast_in_dim3A_535 = arith.constant 61 : i32
      %broadcast_in_dim3A_536 = vector.broadcast %broadcast_in_dim3A_535 : i32 to vector<16xi32>
      %gather3A_537 = tpu.vector_load_idx %arg9[%add3A_170, %broadcast_in_dim3A_534] : memref<512x64xf32, #tpu.memory_space<vmem>>[vector<16xi32>, vector<16xi32>], vector<16xf32>,
      %gather3A_538 = tpu.vector_load_idx %arg10[%add3A_170, %broadcast_in_dim3A_534] : memref<512x64xf32, #tpu.memory_space<vmem>>[vector<16xi32>, vector<16xi32>], vector<16xf32>,
      %mul3A_539 = arith.mulf %gather3A_537, %gather3A_538 : vector<16xf32>
      %add3A_540 = arith.addf %add3A_528, %mul3A_539 : vector<16xf32>
      %gather3A_541 = tpu.vector_load_idx %arg9[%add3A_170, %broadcast_in_dim3A_536] : memref<512x64xf32, #tpu.memory_space<vmem>>[vector<16xi32>, vector<16xi32>], vector<16xf32>,
      %gather3A_542 = tpu.vector_load_idx %arg10[%add3A_170, %broadcast_in_dim3A_536] : memref<512x64xf32, #tpu.memory_space<vmem>>[vector<16xi32>, vector<16xi32>], vector<16xf32>,
      %mul3A_543 = arith.mulf %gather3A_541, %gather3A_542 : vector<16xf32>
      %add3A_544 = arith.addf %add3A_532, %mul3A_543 : vector<16xf32>
      %broadcast_in_dim3A_545 = arith.constant 62 : i32
      %broadcast_in_dim3A_546 = vector.broadcast %broadcast_in_dim3A_545 : i32 to vector<16xi32>
      %broadcast_in_dim3A_547 = arith.constant 63 : i32
      %broadcast_in_dim3A_548 = vector.broadcast %broadcast_in_dim3A_547 : i32 to vector<16xi32>
      %gather3A_549 = tpu.vector_load_idx %arg9[%add3A_170, %broadcast_in_dim3A_546] : memref<512x64xf32, #tpu.memory_space<vmem>>[vector<16xi32>, vector<16xi32>], vector<16xf32>,
      %gather3A_550 = tpu.vector_load_idx %arg10[%add3A_170, %broadcast_in_dim3A_546] : memref<512x64xf32, #tpu.memory_space<vmem>>[vector<16xi32>, vector<16xi32>], vector<16xf32>,
      %mul3A_551 = arith.mulf %gather3A_549, %gather3A_550 : vector<16xf32>
      %add3A_552 = arith.addf %add3A_540, %mul3A_551 : vector<16xf32>
      %gather3A_553 = tpu.vector_load_idx %arg9[%add3A_170, %broadcast_in_dim3A_548] : memref<512x64xf32, #tpu.memory_space<vmem>>[vector<16xi32>, vector<16xi32>], vector<16xf32>,
      %gather3A_554 = tpu.vector_load_idx %arg10[%add3A_170, %broadcast_in_dim3A_548] : memref<512x64xf32, #tpu.memory_space<vmem>>[vector<16xi32>, vector<16xi32>], vector<16xf32>,
      %mul3A_555 = arith.mulf %gather3A_553, %gather3A_554 : vector<16xf32>
      %add3A_556 = arith.addf %add3A_544, %mul3A_555 : vector<16xf32>
      %add3A_557 = arith.addf %add3A_552, %add3A_556 : vector<16xf32>
      %mul3A_558 = arith.constant 16 : i32
      %mul3A_559 = arith.muli %scan3A_166, %mul3A_558 : i32
      %swap3A = arith.index_cast %mul3A_559 : i32 to index
      %swap3A_560 = tpu.vector_load %arg11[%swap3A] {strides = array<i32>} : memref<512xf32, #tpu.memory_space<vmem>>, vector<16xf32>,
      tpu.vector_store %arg11[%swap3A], %add3A_557 {strides = array<i32>} : memref<512xf32, #tpu.memory_space<vmem>>, vector<16xf32>,
    }
    %scan3A_165 = arith.constant 32 : i32
    "tpu.region"() ({
      %run_scoped3A = tpu.sem_alloc : memref<!tpu.dma_semaphore, #tpu.memory_space<semaphore_mem>>
      %dma_start3A_166 = tpu.memref_slice %arg6[%mul3A_2] : memref<16384xf32, #tpu.memory_space<hbm>> -> memref<512xf32, #tpu.memory_space<hbm>>
      %dma_start3A_167 = tpu.memref_slice %arg6[%mul3A_2] : memref<16384xf32, #tpu.memory_space<hbm>> -> memref<512xf32, #tpu.memory_space<hbm>>
      tpu.enqueue_dma source(%arg11 : memref<512xf32, #tpu.memory_space<vmem>>) target(%dma_start3A_167 : memref<512xf32, #tpu.memory_space<hbm>>) target_semaphore(%run_scoped3A : memref<!tpu.dma_semaphore, #tpu.memory_space<semaphore_mem>>)
      %dma_wait3A_168 = tpu.memref_slice %arg6[%mul3A_2] : memref<16384xf32, #tpu.memory_space<hbm>> -> memref<512xf32, #tpu.memory_space<hbm>>
      %dma_wait3A_169 = tpu.memref_slice %arg6[%mul3A_2] : memref<16384xf32, #tpu.memory_space<hbm>> -> memref<512xf32, #tpu.memory_space<hbm>>
      tpu.wait_dma2 semaphore(%run_scoped3A : memref<!tpu.dma_semaphore, #tpu.memory_space<semaphore_mem>>) src(%arg11 : memref<512xf32, #tpu.memory_space<vmem>>) dst(%dma_wait3A_169 : memref<512xf32, #tpu.memory_space<hbm>>)
      tpu.yield
    }) : () -> ()
    return
  }
}

</mosaic_0001>

<sc_bundles>
// kernel: kernel.3.cloned.1.call-start
scs
__scs_entry_jumppad:
0x0: {  	(pc) =	sbr.rel $0x88, $3  }
0x1: {  	(tag) =	ssettag $0x0;
	lr =	simm.s32 $0x1  }
0x2: {  	[smem:$0x3F9D] =	sst lr;
	_ =	strace $0xD0000000  }
0x3: {  	_ = 	snop  }
0x4: {  	_ = 	snop  }
0x5: {  	_ = 	snop  }
0x6: {  	_ = 	snop  }
0x7: {  	_ = 	snop  }
__scs_overlays_trampoline_lowered:
0x8: {  	[smem:$0x3FAC] =	sst s0  }
0x9: {  	[smem:$0x3FAD] =	sst s1  }
0xa: {  	[smem:$0x3FAE] =	sst s2  }
0xb: {  	[smem:$0x3FAF] =	sst s3  }
0xc: {  	[smem:$0x3FB0] =	sst s4  }
0xd: {  	[smem:$0x3FB1] =	sst s5  }
0xe: {  	[smem:$0x3FB2] =	sst s6  }
0xf: {  	[smem:$0x3FB3] =	sst s7  }
0x10: {  	[smem:$0x3FB4] =	sst s8  }
0x11: {  	[smem:$0x3FB5] =	sst s9;
	s0 =	simm.s32 @!p0 $0x0  }
0x12: {  	s1 =	sld [smem:$0x3F9B];
	s0 =	simm.s32 @p0 $0x1  }
0x13: {  	[smem:$0x3FB6] =	sst s0;
	s0 =	simm.s32 @!p1 $0x0  }
0x14: {  	s2 =	sld [smem:$0x3F9A];
	s0 =	simm.s32 @p1 $0x1  }
0x15: {  	[smem:$0x3FB7] =	sst s0;
	s0 =	simm.s32 @!p2 $0x0  }
0x16: {  	s3 =	sld [smem:$0x3FDB];
	s0 =	simm.s32 @p2 $0x1  }
0x17: {  	s4 =	simm.s32 $0x1BF5;
	[smem:$0x3FB9] =	sst s0  }
0x18: {  	s0 =	sld [smem:$0x3F9C];
	_ =	swait.ge [sflag:s4], $0x0  }
0x19: {  	s7 =	sld [smem:$0x3F9D]  }
0x1a: {  	s8 =	sadd.s32 $0xFFFFE003, lr  }
0x1b: {  	s9 =	sadd.s32 $0xFFFFFEF7, lr;
	s5 =	simm.s32 $0xFFFFFFFF;
	p2 =	slt.u32 s8, $0xFFFFF086  }
0x1c: {  	p1 =	slt.u32 s9, $0xF7A;
	s5 =	simm.s32 @!p2 $0x0  }
0x1d: {  	s5 =	simm.s32 @p1 $0x1;
	p0 =	seq.s32 s7, s2  }
0x1e: {  	s7 =	smul.u32 @!p0 $0xF7A, s2;
	p2 =	seq.s32 @!p0 s5, $0x0  }
0x1f: {  	s9 =	smul.u32 $0xF7A, s1;
	s8 =	simm.s32 @!p0 $0x1BF5;
	p2 =	por !p2, p0  }
0x20: {  	[sflag:s8] =	ssyncset.s32 @!p0 $0xFFFFF086;
	s6 =	sadd.s32 @!p0 s3, s7;
	s7 =	simm.s32 @!p0 $0x108  }
0x21: {  	s3 =	sadd.s32 s3, s9;
	s6 =	sadd.s32 @!p0 $0x88, s6;
	s7 =	simm.s32 @p2 $0x1082  }
0x22: {  	[simem:s7], [sflag:s8] =	dma.local @!p0 [hbm:s6], $0xF7A  }
0x23: {  	s9 =	sor.u32 $0xD0000000, s2;
	s6 =	simm.s32 $0x108;
	_ =	swait.ge @!p0 [sflag:s8], $0x0  }
0x24: {  	s3 =	sadd.s32 $0x88, s3;
	s6 =	simm.s32 @!p1 $0x1082;
	[sflag:s4] =	ssyncset.s32 $0xFFFFF086  }
0x25: {  	[simem:s6], [sflag:s4] =	dma.local [hbm:s3], $0xF7A  }
0x26: {  	[smem:$0x3F9D] =	sst s1;
	(tag) =	ssettag s2;
	_ =	strace s9  }
0x27: {  	s1 =	sld [smem:$0x3FAD]  }
0x28: {  	s2 =	sld [smem:$0x3FAE]  }
0x29: {  	s4 =	sld [smem:$0x3FB0]  }
0x2a: {  	p0 =	seq.s32 s5, $0x0;
	s5 =	sld [smem:$0x3FB1]  }
0x2b: {  	s6 =	sld [smem:$0x3FB2]  }
0x2c: {  	s7 =	sld [smem:$0x3FB3]  }
0x2d: {  	s3 =	simm.s32 $0x108;
	s8 =	sld [smem:$0x3FB4]  }
0x2e: {  	s3 =	simm.s32 @!p0 $0x1082;
	s9 =	sld [smem:$0x3FB5]  }
0x2f: {  	lr =	sadd.s32 s0, s3;
	s0 =	sld [smem:$0x3FAC]  }
0x30: {  	s3 =	sld [smem:$0x3FAF]  }
0x31: {  	[smem:$0x3FB8] =	sst s10  }
0x32: {  	s10 =	sld [smem:$0x3FB6];
	_ =	sdelay $0x3  }
0x33: {  	p0 =	seq.s32 s10, $0x1;
	s10 =	sld [smem:$0x3FB8];
	_ =	sdelay $0x3  }
0x34: {  	[smem:$0x3FB8] =	sst s10  }
0x35: {  	s10 =	sld [smem:$0x3FB7];
	_ =	sdelay $0x3  }
0x36: {  	p1 =	seq.s32 s10, $0x1;
	s10 =	sld [smem:$0x3FB8];
	_ =	sdelay $0x3  }
0x37: {  	[smem:$0x3FB8] =	sst s10  }
0x38: {  	s10 =	sld [smem:$0x3FB9]  }
0x39: {  	_ = 	snop;
	(pc) =	sbr.ind lr, $3  }
0x3a: {  	_ = 	snop  }
0x3b: {  	_ = 	snop  }
0x3c: {  	p2 =	seq.s32 s10, $0x1;
	s10 =	sld [smem:$0x3FB8]  }
0x3d: {  	_ =	shalt  }
0x3e: {  	_ =	shalt  }
0x3f: {  	_ =	shalt  }
0x40: {  	_ =	shalt  }
0x41: {  	_ =	shalt  }
0x42: {  	_ =	shalt  }
0x43: {  	_ =	shalt  }
0x44: {  	_ =	shalt  }
0x45: {  	_ =	shalt  }
0x46: {  	_ =	shalt  }
0x47: {  	_ =	shalt  }
0x48: {  	_ =	shalt  }
0x49: {  	_ =	shalt  }
0x4a: {  	_ =	shalt  }
0x4b: {  	_ =	shalt  }
0x4c: {  	_ =	shalt  }
0x4d: {  	_ =	shalt  }
0x4e: {  	_ =	shalt  }
0x4f: {  	_ =	shalt  }
0x50: {  	_ =	shalt  }
0x51: {  	_ =	shalt  }
0x52: {  	_ =	shalt  }
0x53: {  	_ =	shalt  }
0x54: {  	_ =	shalt  }
0x55: {  	_ =	shalt  }
0x56: {  	_ =	shalt  }
0x57: {  	_ =	shalt  }
0x58: {  	_ =	shalt  }
0x59: {  	_ =	shalt  }
0x5a: {  	_ =	shalt  }
0x5b: {  	_ =	shalt  }
0x5c: {  	_ =	shalt  }
0x5d: {  	_ =	shalt  }
0x5e: {  	_ =	shalt  }
0x5f: {  	_ =	shalt  }
0x60: {  	_ =	shalt  }
0x61: {  	_ =	shalt  }
0x62: {  	_ =	shalt  }
0x63: {  	_ =	shalt  }
0x64: {  	_ =	shalt  }
0x65: {  	_ =	shalt  }
0x66: {  	_ =	shalt  }
0x67: {  	_ =	shalt  }
0x68: {  	_ =	shalt  }
0x69: {  	_ =	shalt  }
0x6a: {  	_ =	shalt  }
0x6b: {  	_ =	shalt  }
0x6c: {  	_ =	shalt  }
0x6d: {  	_ =	shalt  }
0x6e: {  	_ =	shalt  }
0x6f: {  	_ =	shalt  }
0x70: {  	_ =	shalt  }
0x71: {  	_ =	shalt  }
0x72: {  	_ =	shalt  }
0x73: {  	_ =	shalt  }
0x74: {  	_ =	shalt  }
0x75: {  	_ =	shalt  }
0x76: {  	_ =	shalt  }
0x77: {  	_ =	shalt  }
0x78: {  	_ =	shalt  }
0x79: {  	_ =	shalt  }
0x7a: {  	_ =	shalt  }
0x7b: {  	_ =	shalt  }
0x7c: {  	_ =	shalt  }
0x7d: {  	_ =	shalt  }
0x7e: {  	_ =	shalt  }
0x7f: {  	_ =	shalt  }
0x80: {  	_ =	shalt  }
0x81: {  	_ =	shalt  }
0x82: {  	_ =	shalt  }
0x83: {  	_ =	shalt  }
0x84: {  	_ =	shalt  }
0x85: {  	_ =	shalt  }
0x86: {  	_ =	shalt  }
0x87: {  	_ =	shalt  }
.Lfunc_end0:
.L_simem_size_0:
called_computation_lowered:
.L_overlay_start_0:
0x88: {  	s2 =	sld [smem:$0x3FD9]  }
0x89: {  	s3 =	sld [smem:$0x3FFE];
	_ =	sdelay $0x1  }
0x8a: {  	s1 =	srdreg.scid  }
0x8b: {  	s0 =	sand.u32 $0x1, s1  }
0x8c: {  	s17 =	sshll.u32 s0, $0xA;
	s2 =	sadd.s32 s3, s2  }
0x8d: {  	s2 =	sadd.s32 s2, s17  }
0x8e: {  	[smem:$0x3FC4] =	sst s2  }
0x8f: {  	_ = 	snop  }
0x90: {  	s2 =	sld [smem:$0x3FC9]  }
0x91: {  	s18 =	sld [smem:$0x3FC8]  }
0x92: {  	s4 =	sld [smem:$0x3FD0];
	(tm) =	ssettm $0x1  }
0x93: {  	s5 =	sld [smem:$0x3FFB];
	_ =	sdelay $0x3  }
0x94: {  	_ =	strace s5  }
0x95: {  	s5 =	sld [smem:$0x3FFC];
	_ =	sdelay $0x3  }
0x96: {  	_ =	strace s5  }
0x97: {  	s5 =	sld [smem:$0x3FFD];
	_ =	sdelay $0x3  }
0x98: {  	_ =	strace s5  }
0x99: {  	_ =	strace $0x8FFFFFFF  }
0x9a: {  	s19 =	sld [smem:$0x3FDB];
	_ =	sdelay $0x1  }
0x9b: {  	s6 =	simm.s32 $_scs_section_size  }
0x9c: {  	s7 =	simm.s32 $_size__tile_overlayer_lowered;
	s8 =	simm.s32 $_tile_overlayer_lowered  }
0x9d: {  	s22 =	simm.s32 $0x1BFF;
	s21 =	sshll.u32 s8, $0x1;
	s5 =	sadd.s32 s6, s19  }
0x9e: {  	s9 =	simm.s32 $0x0;
	s20 =	sshll.u32 s7, $0x1;
	s7 =	sadd.s32 s21, s5  }
0x9f: {  	[timem:s9], [sflag:s22] =	dma.local [hbm:s7], s20  }
0xa0: {  	_ =	swait.ge [sflag:s22], s20  }
0xa1: {  	s6 =	ssub.s32 $0x0, s20;
	[sflag:s22] =	ssyncset.done $0x0  }
0xa2: {  	[sflag:s22] =	ssyncadd.s32 s6;
	_ =	sdelay $0x1  }
0xa3: {  	s23 =	simm.s32 $0x1B8B  }
0xa4: {  	_ =	swait.ge [sflag:s23], $0x1  }
0xa5: {  	[sflag:s23] =	ssyncset.done $0x0  }
0xa6: {  	s25 =	simm.s32 $0x1B8E;
	s24 =	sld [smem:$0x3FFE];
	[sflag:s23] =	ssyncadd.s32 $0xFFFFFFFF  }
0xa7: {  	s26 =	simm.s32 $execute0_lowered;
	[smem:$0x3FD2] =	sst s25  }
0xa8: {  	s7 =	sshll.u32 s26, $0x1;
	_ =	strace $0x80000046;
	[dreg:$0x1] =	wrdreg $0xFFFFFFFF  }
0xa9: {  	s28 =	simm.s32 $_size_execute0_lowered;
	s5 =	sadd.s32 s5, s7;
	[dreg:$0x0] =	wrdreg $0x0  }
0xaa: {  	s7 =	sshll.u32 s28, $0x1;
	[dreg:$0x2] =	wrdreg s5  }
0xab: {  	[dreg:$0x3] =	wrdreg s7  }
0xac: {  	[dreg:$0x4] =	wrdreg $0xC0  }
0xad: {  	_ =	task [dreg:s9], $0x5FFFF  }
0xae: {  	[dreg:$0x1] =	wrdreg $0xFFFFFFFF  }
0xaf: {  	[dreg:$0x0] =	wrdreg $0x60  }
0xb0: {  	[dreg:$0x2] =	wrdreg s2  }
0xb1: {  	[dreg:$0x3] =	wrdreg s18  }
0xb2: {  	[dreg:$0x4] =	wrdreg s24  }
0xb3: {  	[dreg:$0x5] =	wrdreg s4  }
0xb4: {  	[dreg:$0x6] =	wrdreg $0x9  }
0xb5: {  	_ =	task.clear_ibuf [dreg:s9], $0x7FFFF;
	_ =	strace $0x90000046  }
0xb6: {  	s29 =	simm.s32 $0x9;
	_ =	strace $0x80000048  }
0xb7: {  	_ =	swait.ge [sflag:s29], $0x1  }
0xb8: {  	[sflag:s29] =	ssyncadd.s32 $0xFFFFFFFF  }
0xb9: {  	_ =	strace $0x90000048  }
0xba: {  	_ =	sfence  }
0xbb: {  	s30 =	sld [smem:$0x0];
	_ =	sdelay $0x2  }
0xbc: {  	s31 =	sshll.u32 s1, $0xD;
	s1 =	sshrl.u32 s1, $0x2  }
0xbd: {  	s3 =	sand.u32 $0x4000, s31;
	s1 =	sadd.s32 s1, s30  }
0xbe: {  	s0 =	sor.u32 s3, s0;
	s1 =	sshll.u32 s1, $0x11  }
0xbf: {  	s0 =	sor.u32 s1, s0  }
0xc0: {  	s0 =	sadd.s32 $0x8F2B, s0  }
0xc1: {  	[sflag:s0] =	ssyncadd.remote.s32 $0x1  }
0xc2: {  	_ =	sfence.sel $0xFFFF  }
0xc3: {  	[dreg:$0x0] =	wrdreg $0xFFFFFFFF;
	(pc) =	sbr.abs _section_cstart, $3  }
0xc4: {  	[dreg:$0x1] =	wrdreg $0xFFFFFFFF  }
0xc5: {  	_ =	task.clear_ibuf [dreg:s9], $0x2FFFF;
	_ =	strace $0x9FFFFFFF  }
0xc6: {  	(tm) =	ssettm $0x7FFFFFFF  }
0xc7: {  	_ =	shalt  }
tec
execute0_lowered:
.L_overlay_start_1:
0x0: {  	(tag) =	ssettag $0x1  }
0x1: {  	s5 =	rddreg [dreg:$0x0]  }
0x2: {  	s6 =	rddreg [dreg:$0x1]  }
0x3: {  	s4 =	rddreg [dreg:$0x2]  }
0x4: {  	s7 =	rddreg [dreg:$0x3]  }
0x5: {  	s0 =	rddreg [dreg:$0x4];
	s1 =	simm.s32 $0x0  }
0x6: {  	s8 =	srdreg.scid;
	s2 =	stileid.u32;
	s12 =	simm.s32 $0x400  }
0x7: {  	s13 =	simm.s32 $0x8400;
	s14 =	simm.s32 $0x2400;
	s15 =	simm.s32 $0x280  }
0x8: {  	s16 =	simm.s32 $0xA400;
	s17 =	simm.s32 $0x100;
	s18 =	simm.s32 $0x4400  }
0x9: {  	s19 =	simm.s32 $0x300;
	s20 =	simm.s32 $0xC400;
	s21 =	simm.s32 $0x180  }
0xa: {  	s22 =	simm.s32 $0x6400;
	s23 =	simm.s32 $0x380;
	s24 =	simm.s32 $0xE400  }
0xb: {  	s25 =	simm.s32 $0x1;
	s26 =	simm.s32 $0x10400;
	s28 =	simm.s32 $0x0  }
0xc: {  	[smem:$0x7FF] =	sst s1;
	s3 =	sadd.s32 $0xF42800, s4;
	s8 =	sand.u32 $0x1, s8  }
0xd: {  	s10 =	sshll.u32 s2, $0x7;
	s4 =	sadd.s32 $0x16E3A00, s4;
	s9 =	ssub.s32 $0x2, s8  }
0xe: {  	v0 =	vlaneseq.u32;
	_ =	strace $0x80000047;
	s8 =	sshll.u32 s8, $0x6;
	s11 =	sshrl.u32 s9, $0x1  }
0xf: {  	v0 =	vmul.u32 $0x40, v0;
	s8 =	sor.u32 s8, s10;
	s10 =	simm.s32 $0x200;
	s9 =	ssub.s32 s9, s11  }
0x10: {  	s5 =	sadd.s32 s5, s8;
	s6 =	sadd.s32 s6, s8;
	s7 =	sadd.s32 s7, s8  }
0x11: {  	[tilespmem:$0x1FFF0] =	vst v0;
	s11 =	simm.s32 $0x80;
	s8 =	smax.u32 s9, $0x1;
	s9 =	simm.s32 $0x2  }
.LBB2_1:
0x12: {  	[tilespmem:s1], [sflag:$0x2] =	stream.linear.gather [hbm4b:s5+s1], $0x200, $0x38;
	[tilespmem:$0x10600] =	vst v63  }
0x13: {  	_ =	swait.ge [sflag:s9], $0x200  }
0x14: {  	[sflag:s9] =	ssyncset.done $0x0  }
0x15: {  	[sflag:s9] =	ssyncadd.s32 $0xFFFFFE00  }
0x16: {  	[tilespmem:s10], [sflag:$0x2] =	stream.linear.gather [hbm4b:s6+s1], $0x200, $0x38;
	[tilespmem:$0x10600] =	vst v63  }
0x17: {  	_ =	swait.ge [sflag:s9], $0x200  }
0x18: {  	[sflag:s9] =	ssyncset.done $0x0  }
0x19: {  	[sflag:s9] =	ssyncadd.s32 $0xFFFFFE00  }
0x1a: {  	[tilespmem:s12], [sflag:$0x1] =	stream.indirect.gather [hbm4b:s3+s11], $0x40, s1, s11, $0xb8;
	[tilespmem:$0x10600] =	vst v63  }
0x1b: {  	_ = 	snop  }
0x1c: {  	[tilespmem:s13], [sflag:$0x1] =	stream.indirect.gather [hbm4b:s4+s11], $0x40, s10, s11, $0xb8;
	[tilespmem:$0x10600] =	vst v63  }
0x1d: {  	_ = 	snop  }
0x1e: {  	[tilespmem:s14], [sflag:$0x1] =	stream.indirect.gather [hbm4b:s3+s11], $0x40, s11, s11, $0xb8;
	[tilespmem:$0x10600] =	vst v63  }
0x1f: {  	_ = 	snop  }
0x20: {  	[tilespmem:s16], [sflag:$0x1] =	stream.indirect.gather [hbm4b:s4+s11], $0x40, s15, s11, $0xb8;
	[tilespmem:$0x10600] =	vst v63  }
0x21: {  	_ = 	snop  }
0x22: {  	[tilespmem:s18], [sflag:$0x1] =	stream.indirect.gather [hbm4b:s3+s11], $0x40, s17, s11, $0xb8;
	[tilespmem:$0x10600] =	vst v63  }
0x23: {  	_ = 	snop  }
0x24: {  	[tilespmem:s20], [sflag:$0x1] =	stream.indirect.gather [hbm4b:s4+s11], $0x40, s19, s11, $0xb8;
	[tilespmem:$0x10600] =	vst v63  }
0x25: {  	_ = 	snop  }
0x26: {  	[tilespmem:s22], [sflag:$0x1] =	stream.indirect.gather [hbm4b:s3+s11], $0x40, s21, s11, $0xb8;
	[tilespmem:$0x10600] =	vst v63  }
0x27: {  	_ = 	snop  }
0x28: {  	[tilespmem:s24], [sflag:$0x1] =	stream.indirect.gather [hbm4b:s4+s11], $0x40, s23, s11, $0xb8;
	[tilespmem:$0x10600] =	vst v63  }
0x29: {  	_ =	swait.ge [sflag:s25], $0x2000  }
0x2a: {  	[sflag:s25] =	ssyncset.done $0x0  }
0x2b: {  	[sflag:s25] =	ssyncadd.s32 $0xFFFFE000  }
0x2c: {  	_ =	swait.ge [sflag:s25], $0x2000  }
0x2d: {  	[sflag:s25] =	ssyncset.done $0x0  }
0x2e: {  	[sflag:s25] =	ssyncadd.s32 $0xFFFFE000  }
0x2f: {  	_ =	swait.ge [sflag:s25], $0x2000  }
0x30: {  	[sflag:s25] =	ssyncset.done $0x0  }
0x31: {  	[sflag:s25] =	ssyncadd.s32 $0xFFFFE000  }
0x32: {  	_ =	swait.ge [sflag:s25], $0x2000  }
0x33: {  	[sflag:s25] =	ssyncset.done $0x0  }
0x34: {  	[sflag:s25] =	ssyncadd.s32 $0xFFFFE000  }
0x35: {  	_ =	swait.ge [sflag:s25], $0x2000  }
0x36: {  	[sflag:s25] =	ssyncset.done $0x0  }
0x37: {  	[sflag:s25] =	ssyncadd.s32 $0xFFFFE000  }
0x38: {  	_ =	swait.ge [sflag:s25], $0x2000  }
0x39: {  	v1 =	vmov s1;
	[sflag:s25] =	ssyncset.done $0x0  }
0x3a: {  	v1 =	vshll.u32 v1, $0x6;
	[sflag:s25] =	ssyncadd.s32 $0xFFFFE000  }
0x3b: {  	v7 =	vor.u32 v0, v1;
	_ =	swait.ge [sflag:s25], $0x2000  }
0x3c: {  	v2 =	vor.u32 $0x3E, v7;
	[sflag:s25] =	ssyncset.done $0x0  }
0x3d: {  	[sflag:s25] =	ssyncadd.s32 $0xFFFFE000  }
0x3e: {  	v4 =	vor.u32 $0x3C, v7;
	_ =	swait.ge [sflag:s25], $0x2000  }
0x3f: {  	[sflag:s25] =	ssyncset.done $0x0  }
0x40: {  	v6 =	vor.u32 $0x3A, v7;
	[sflag:s25] =	ssyncadd.s32 $0xFFFFE000  }
0x41: {  	v50 =	vld.idx.msk [tilespmem:v2+s12+$0x0], $0xffff  }
0x42: {  	v9 =	vor.u32 $0x38, v7;
	v51 =	vld.idx.msk [tilespmem:v2+s13+$0x0], $0xffff  }
0x43: {  	v52 =	vld.idx.msk [tilespmem:v4+s12+$0x0], $0xffff  }
0x44: {  	v11 =	vor.u32 $0x36, v7;
	v53 =	vld.idx.msk [tilespmem:v4+s13+$0x0], $0xffff  }
0x45: {  	v54 =	vld.idx.msk [tilespmem:v6+s12+$0x0], $0xffff  }
0x46: {  	v13 =	vor.u32 $0x34, v7;
	v55 =	vld.idx.msk [tilespmem:v6+s13+$0x0], $0xffff  }
0x47: {  	v56 =	vld.idx.msk [tilespmem:v9+s12+$0x0], $0xffff  }
0x48: {  	v15 =	vor.u32 $0x32, v7;
	v57 =	vld.idx.msk [tilespmem:v9+s13+$0x0], $0xffff  }
0x49: {  	v58 =	vld.idx.msk [tilespmem:v11+s12+$0x0], $0xffff  }
0x4a: {  	v17 =	vor.u32 $0x30, v7;
	v59 =	vld.idx.msk [tilespmem:v11+s13+$0x0], $0xffff  }
0x4b: {  	v60 =	vld.idx.msk [tilespmem:v13+s12+$0x0], $0xffff  }
0x4c: {  	v19 =	vor.u32 $0x2E, v7;
	v13 =	vld.idx.msk [tilespmem:v13+s13+$0x0], $0xffff  }
0x4d: {  	v14 =	vld.idx.msk [tilespmem:v15+s12+$0x0], $0xffff  }
0x4e: {  	v21 =	vor.u32 $0x2C, v7;
	v15 =	vld.idx.msk [tilespmem:v15+s13+$0x0], $0xffff  }
0x4f: {  	v16 =	vld.idx.msk [tilespmem:v17+s12+$0x0], $0xffff  }
0x50: {  	v23 =	vor.u32 $0x2A, v7;
	v17 =	vld.idx.msk [tilespmem:v17+s13+$0x0], $0xffff  }
0x51: {  	v18 =	vld.idx.msk [tilespmem:v19+s12+$0x0], $0xffff  }
0x52: {  	v25 =	vor.u32 $0x28, v7;
	v19 =	vld.idx.msk [tilespmem:v19+s13+$0x0], $0xffff  }
0x53: {  	v20 =	vld.idx.msk [tilespmem:v21+s12+$0x0], $0xffff  }
0x54: {  	v27 =	vor.u32 $0x26, v7;
	v21 =	vld.idx.msk [tilespmem:v21+s13+$0x0], $0xffff  }
0x55: {  	v22 =	vld.idx.msk [tilespmem:v23+s12+$0x0], $0xffff  }
0x56: {  	v29 =	vor.u32 $0x24, v7;
	v23 =	vld.idx.msk [tilespmem:v23+s13+$0x0], $0xffff  }
0x57: {  	v24 =	vld.idx.msk [tilespmem:v25+s12+$0x0], $0xffff  }
0x58: {  	v31 =	vor.u32 $0x22, v7;
	v25 =	vld.idx.msk [tilespmem:v25+s13+$0x0], $0xffff  }
0x59: {  	v26 =	vld.idx.msk [tilespmem:v27+s12+$0x0], $0xffff  }
0x5a: {  	v33 =	vor.u32 $0x20, v7;
	v27 =	vld.idx.msk [tilespmem:v27+s13+$0x0], $0xffff  }
0x5b: {  	v28 =	vld.idx.msk [tilespmem:v29+s12+$0x0], $0xffff  }
0x5c: {  	v35 =	vor.u32 $0x1E, v7;
	v29 =	vld.idx.msk [tilespmem:v29+s13+$0x0], $0xffff  }
0x5d: {  	v30 =	vld.idx.msk [tilespmem:v31+s12+$0x0], $0xffff  }
0x5e: {  	v37 =	vor.u32 $0x1C, v7;
	v31 =	vld.idx.msk [tilespmem:v31+s13+$0x0], $0xffff  }
0x5f: {  	v32 =	vld.idx.msk [tilespmem:v33+s12+$0x0], $0xffff  }
0x60: {  	v39 =	vor.u32 $0x1A, v7;
	v33 =	vld.idx.msk [tilespmem:v33+s13+$0x0], $0xffff  }
0x61: {  	v34 =	vld.idx.msk [tilespmem:v35+s12+$0x0], $0xffff  }
0x62: {  	v41 =	vor.u32 $0x18, v7;
	v35 =	vld.idx.msk [tilespmem:v35+s13+$0x0], $0xffff  }
0x63: {  	v36 =	vld.idx.msk [tilespmem:v37+s12+$0x0], $0xffff  }
0x64: {  	v42 =	vor.u32 $0x16, v7;
	v37 =	vld.idx.msk [tilespmem:v37+s13+$0x0], $0xffff  }
0x65: {  	v38 =	vld.idx.msk [tilespmem:v39+s12+$0x0], $0xffff  }
0x66: {  	v43 =	vor.u32 $0x14, v7;
	v39 =	vld.idx.msk [tilespmem:v39+s13+$0x0], $0xffff  }
0x67: {  	v40 =	vld.idx.msk [tilespmem:v41+s12+$0x0], $0xffff  }
0x68: {  	v44 =	vor.u32 $0x12, v7;
	v41 =	vld.idx.msk [tilespmem:v41+s13+$0x0], $0xffff  }
0x69: {  	v45 =	vld.idx.msk [tilespmem:v42+s12+$0x0], $0xffff  }
0x6a: {  	v62 =	vor.u32 $0x1, v7;
	v42 =	vld.idx.msk [tilespmem:v42+s13+$0x0], $0xffff  }
0x6b: {  	v47 =	vld.idx.msk [tilespmem:v43+s12+$0x0], $0xffff  }
0x6c: {  	v43 =	vld.idx.msk [tilespmem:v43+s13+$0x0], $0xffff  }
0x6d: {  	v49 =	vld.idx.msk [tilespmem:v44+s12+$0x0], $0xffff  }
0x6e: {  	v1 =	vor.u32 $0x3, v7;
	v44 =	vld.idx.msk [tilespmem:v44+s13+$0x0], $0xffff  }
0x6f: {  	v9 =	vld.idx.msk [tilespmem:v62+s12+$0x0], $0xffff  }
0x70: {  	v46 =	vor.u32 $0x10, v7;
	v62 =	vld.idx.msk [tilespmem:v62+s13+$0x0], $0xffff  }
0x71: {  	v5 =	vld.idx.msk [tilespmem:v7+s13+$0x0], $0xffff  }
0x72: {  	v48 =	vor.u32 $0xE, v7;
	v4 =	vld.idx.msk [tilespmem:v7+s12+$0x0], $0xffff  }
0x73: {  	v8 =	vld.idx.msk [tilespmem:v1+s12+$0x0], $0xffff  }
0x74: {  	v2 =	vor.u32 $0x5, v7;
	v6 =	vld.idx.msk [tilespmem:v1+s13+$0x0], $0xffff  }
0x75: {  	[tilespmem:$0x1FF30] =	vst v51;
	v51 =	vld.idx.msk [tilespmem:v46+s12+$0x0], $0xffff  }
0x76: {  	v3 =	vor.u32 $0x7, v7;
	v46 =	vld.idx.msk [tilespmem:v46+s13+$0x0], $0xffff  }
0x77: {  	[tilespmem:$0x1FF10] =	vst v53;
	v53 =	vld.idx.msk [tilespmem:v48+s12+$0x0], $0xffff  }
0x78: {  	v1 =	vor.u32 $0x9, v7;
	v48 =	vld.idx.msk [tilespmem:v48+s13+$0x0], $0xffff  }
0x79: {  	v11 =	vld.idx.msk [tilespmem:v2+s12+$0x0], $0xffff  }
0x7a: {  	[tilespmem:$0x1FF20] =	vst v50;
	v50 =	vor.u32 $0xC, v7;
	v10 =	vld.idx.msk [tilespmem:v2+s13+$0x0], $0xffff  }
0x7b: {  	v4 =	vmul.f32 v5, v4;
	v5 =	vmul.f32 v62, v9;
	v9 =	vld.idx.msk [tilespmem:v3+s12+$0x0], $0xffff  }
0x7c: {  	[tilespmem:$0x1FF00] =	vst v52;
	v52 =	vor.u32 $0xA, v7;
	v3 =	vld.idx.msk [tilespmem:v3+s13+$0x0], $0xffff  }
0x7d: {  	[tilespmem:$0x1FEF0] =	vst v55;
	v6 =	vmul.f32 v6, v8;
	v8 =	vld.idx.msk [tilespmem:v1+s12+$0x0], $0xffff  }
0x7e: {  	[tilespmem:$0x1FEA0] =	vst v58;
	v58 =	vor.u32 $0x4, v7;
	v1 =	vld.idx.msk [tilespmem:v1+s13+$0x0], $0xffff  }
0x7f: {  	[tilespmem:$0x1FE90] =	vst v60;
	v60 =	vor.u32 $0x2, v7;
	v55 =	vld.idx.msk [tilespmem:v50+s12+$0x0], $0xffff  }
0x80: {  	v50 =	vld.idx.msk [tilespmem:v50+s13+$0x0], $0xffff  }
0x81: {  	[tilespmem:$0x1FED0] =	vst v57;
	v57 =	vld.idx.msk [tilespmem:v52+s12+$0x0], $0xffff  }
0x82: {  	[tilespmem:$0x1FEE0] =	vst v54;
	v54 =	vor.u32 $0x8, v7;
	v52 =	vld.idx.msk [tilespmem:v52+s13+$0x0], $0xffff  }
0x83: {  	v63 =	vld.idx.msk [tilespmem:v58+s12+$0x0], $0xffff  }
0x84: {  	[tilespmem:$0x1FEC0] =	vst v56;
	v56 =	vor.u32 $0x6, v7;
	v12 =	vld.idx.msk [tilespmem:v60+s12+$0x0], $0xffff  }
0x85: {  	v60 =	vld.idx.msk [tilespmem:v60+s13+$0x0], $0xffff  }
0x86: {  	v2 =	vor.u32 $0xB, v7;
	v58 =	vld.idx.msk [tilespmem:v58+s13+$0x0], $0xffff  }
0x87: {  	[tilespmem:$0x1FEB0] =	vst v59;
	v5 =	vadd.f32 $0.0e+00, v5;
	v59 =	vld.idx.msk [tilespmem:v54+s12+$0x0], $0xffff  }
0x88: {  	v62 =	vor.u32 $0xF, v7;
	v54 =	vld.idx.msk [tilespmem:v54+s13+$0x0], $0xffff  }
0x89: {  	v4 =	vadd.f32 $0.0e+00, v4;
	v5 =	vadd.f32 v6, v5;
	v61 =	vld.idx.msk [tilespmem:v56+s12+$0x0], $0xffff;
	v6 =	vmul.f32 v10, v11  }
0x8a: {  	v56 =	vld.idx.msk [tilespmem:v56+s13+$0x0], $0xffff;
	v3 =	vmul.f32 v3, v9;
	v12 =	vmul.f32 v60, v12;
	v60 =	vor.u32 $0xD, v7  }
0x8b: {  	v10 =	vld.idx.msk [tilespmem:v2+s12+$0x0], $0xffff;
	v1 =	vmul.f32 v1, v8;
	v5 =	vadd.f32 v6, v5;
	v58 =	vmul.f32 v58, v63  }
0x8c: {  	v2 =	vld.idx.msk [tilespmem:v2+s13+$0x0], $0xffff;
	v8 =	vmul.f32 v52, v57;
	v57 =	vor.u32 $0x1B, v7;
	v4 =	vadd.f32 v12, v4  }
0x8d: {  	v3 =	vadd.f32 v3, v5;
	v5 =	vld.idx.msk [tilespmem:v62+s12+$0x0], $0xffff;
	v12 =	vor.u32 $0x11, v7  }
0x8e: {  	v4 =	vadd.f32 v58, v4;
	v58 =	vld.idx.msk [tilespmem:v62+s13+$0x0], $0xffff  }
0x8f: {  	v11 =	vmul.f32 v56, v61;
	v6 =	vld.idx.msk [tilespmem:v60+s12+$0x0], $0xffff  }
0x90: {  	v61 =	vmul.f32 v54, v59;
	v59 =	vor.u32 $0x15, v7;
	v63 =	vld.idx.msk [tilespmem:v60+s13+$0x0], $0xffff  }
0x91: {  	v4 =	vadd.f32 v11, v4;
	v11 =	vld.idx.msk [tilespmem:v57+s13+$0x0], $0xffff  }
0x92: {  	v56 =	vor.u32 $0x13, v7;
	v60 =	vld.idx.msk [tilespmem:v12+s12+$0x0], $0xffff  }
0x93: {  	v62 =	vld.idx.msk [tilespmem:v12+s13+$0x0], $0xffff  }
0x94: {  	v12 =	vor.u32 $0x17, v7;
	v4 =	vadd.f32 v61, v4;
	v61 =	vmul.f32 v50, v55;
	v50 =	vld.idx.msk [tilespmem:v57+s12+$0x0], $0xffff  }
0x95: {  	v55 =	vmul.f32 v58, v5;
	v5 =	vld.idx.msk [tilespmem:v59+s12+$0x0], $0xffff  }
0x96: {  	v57 =	vor.u32 $0x25, v7;
	v58 =	vld.idx.msk [tilespmem:v59+s13+$0x0], $0xffff;
	v4 =	vadd.f32 v8, v4  }
0x97: {  	v2 =	vmul.f32 v2, v10;
	v54 =	vld.idx.msk [tilespmem:v56+s13+$0x0], $0xffff;
	v8 =	vmul.f32 v48, v53;
	v53 =	vor.u32 $0x19, v7  }
0x98: {  	v1 =	vadd.f32 v1, v3;
	v63 =	vmul.f32 v63, v6;
	v6 =	vld.idx.msk [tilespmem:v56+s12+$0x0], $0xffff;
	v4 =	vadd.f32 v61, v4  }
0x99: {  	v59 =	vmul.f32 v62, v60;
	v60 =	vor.u32 $0x1D, v7;
	v61 =	vld.idx.msk [tilespmem:v12+s13+$0x0], $0xffff  }
0x9a: {  	v1 =	vadd.f32 v2, v1;
	v4 =	vadd.f32 v8, v4;
	v8 =	vld.idx.msk [tilespmem:v12+s12+$0x0], $0xffff  }
0x9b: {  	v56 =	vmul.f32 v46, v51;
	v9 =	vld.idx.msk [tilespmem:v57+s13+$0x0], $0xffff;
	v51 =	vmul.f32 v58, v5;
	v5 =	vor.u32 $0x21, v7  }
0x9c: {  	v1 =	vadd.f32 v63, v1;
	v12 =	vmul.f32 v44, v49;
	v62 =	vld.idx.msk [tilespmem:v53+s12+$0x0], $0xffff  }
0x9d: {  	v63 =	vmul.f32 v54, v6;
	v6 =	vor.u32 $0x1F, v7;
	v49 =	vld.idx.msk [tilespmem:v53+s13+$0x0], $0xffff;
	v4 =	vadd.f32 v56, v4  }
0x9e: {  	v43 =	vmul.f32 v43, v47;
	v52 =	vld.idx.msk [tilespmem:v60+s12+$0x0], $0xffff  }
0x9f: {  	v3 =	vld.idx.msk [tilespmem:v60+s13+$0x0], $0xffff;
	v4 =	vadd.f32 v12, v4;
	v53 =	vmul.f32 v61, v8;
	v8 =	vor.u32 $0x23, v7  }
0xa0: {  	v1 =	vadd.f32 v55, v1;
	v58 =	vld.idx.msk [tilespmem:v5+s12+$0x0], $0xffff  }
0xa1: {  	v12 =	vmul.f32 v42, v45;
	v5 =	vld.idx.msk [tilespmem:v5+s13+$0x0], $0xffff;
	v4 =	vadd.f32 v43, v4  }
0xa2: {  	v1 =	vadd.f32 v59, v1;
	v55 =	vld.idx.msk [tilespmem:v6+s12+$0x0], $0xffff  }
0xa3: {  	v54 =	vmul.f32 v41, v40;
	v60 =	vor.u32 $0x27, v7;
	v6 =	vld.idx.msk [tilespmem:v6+s13+$0x0], $0xffff;
	v4 =	vadd.f32 v12, v4  }
0xa4: {  	v1 =	vadd.f32 v63, v1;
	v61 =	vmul.f32 v37, v36;
	v56 =	vmul.f32 v49, v62;
	v62 =	vld.idx.msk [tilespmem:v8+s12+$0x0], $0xffff  }
0xa5: {  	v37 =	vor.u32 $0x29, v7;
	v12 =	vmul.f32 v39, v38;
	v4 =	vadd.f32 v54, v4;
	v8 =	vld.idx.msk [tilespmem:v8+s13+$0x0], $0xffff  }
0xa6: {  	v59 =	vmul.f32 v11, v50;
	v50 =	vor.u32 $0x33, v7;
	v36 =	vld [tilespmem:$0x1FED0]  }
0xa7: {  	v1 =	vadd.f32 v51, v1;
	v39 =	vld.idx.msk [tilespmem:v57+s12+$0x0], $0xffff;
	v4 =	vadd.f32 v12, v4  }
0xa8: {  	v46 =	vmul.f32 v29, v28;
	v43 =	vld.idx.msk [tilespmem:v60+s12+$0x0], $0xffff;
	v41 =	vmul.f32 v6, v55;
	v6 =	vor.u32 $0x2B, v7  }
0xa9: {  	v1 =	vadd.f32 v53, v1;
	v10 =	vld.idx.msk [tilespmem:v60+s13+$0x0], $0xffff;
	v12 =	vmul.f32 v35, v34;
	v4 =	vadd.f32 v61, v4  }
0xaa: {  	v63 =	vmul.f32 v3, v52;
	v3 =	vld.idx.msk [tilespmem:v37+s13+$0x0], $0xffff;
	v45 =	vmul.f32 v8, v62;
	v8 =	vor.u32 $0x2F, v7  }
0xab: {  	v42 =	vmul.f32 v33, v32;
	v55 =	vmul.f32 v21, v20;
	v20 =	vld.idx.msk [tilespmem:v50+s12+$0x0], $0xffff;
	v4 =	vadd.f32 v12, v4  }
0xac: {  	v48 =	vor.u32 $0x31, v7;
	v1 =	vadd.f32 v56, v1;
	v44 =	vmul.f32 v5, v58;
	v35 =	vld [tilespmem:$0x1FEC0]  }
0xad: {  	v5 =	vor.u32 $0x2D, v7;
	v12 =	vmul.f32 v31, v30;
	v28 =	vld.idx.msk [tilespmem:v6+s12+$0x0], $0xffff;
	v4 =	vadd.f32 v42, v4  }
0xae: {  	v1 =	vadd.f32 v59, v1;
	v6 =	vld.idx.msk [tilespmem:v6+s13+$0x0], $0xffff  }
0xaf: {  	v51 =	vmul.f32 v25, v24;
	v4 =	vadd.f32 v12, v4;
	v24 =	vld.idx.msk [tilespmem:v8+s12+$0x0], $0xffff  }
0xb0: {  	v1 =	vadd.f32 v63, v1;
	v8 =	vld.idx.msk [tilespmem:v8+s13+$0x0], $0xffff  }
0xb1: {  	v47 =	vmul.f32 v9, v39;
	v9 =	vld.idx.msk [tilespmem:v48+s13+$0x0], $0xffff;
	v12 =	vmul.f32 v27, v26;
	v4 =	vadd.f32 v46, v4  }
0xb2: {  	v1 =	vadd.f32 v41, v1;
	v26 =	vld.idx.msk [tilespmem:v5+s12+$0x0], $0xffff  }
0xb3: {  	v5 =	vld.idx.msk [tilespmem:v5+s13+$0x0], $0xffff;
	v54 =	vmul.f32 v6, v28;
	v6 =	vor.u32 $0x37, v7;
	v4 =	vadd.f32 v12, v4  }
0xb4: {  	v49 =	vmul.f32 v10, v43;
	v10 =	vld.idx.msk [tilespmem:v50+s13+$0x0], $0xffff;
	v1 =	vadd.f32 v44, v1;
	v12 =	vmul.f32 v23, v22  }
0xb5: {  	v62 =	vld [tilespmem:$0x1FE90];
	v57 =	vmul.f32 v8, v24;
	v8 =	vor.u32 $0x3B, v7;
	v4 =	vadd.f32 v51, v4  }
0xb6: {  	v30 =	vld.idx.msk [tilespmem:v37+s12+$0x0], $0xffff  }
0xb7: {  	v1 =	vadd.f32 v45, v1;
	v22 =	vld.idx.msk [tilespmem:v48+s12+$0x0], $0xffff;
	v4 =	vadd.f32 v12, v4  }
0xb8: {  	v58 =	vmul.f32 v17, v16;
	v56 =	vmul.f32 v5, v26;
	v5 =	vor.u32 $0x39, v7;
	v16 =	vld.idx.msk [tilespmem:v6+s12+$0x0], $0xffff  }
0xb9: {  	v1 =	vadd.f32 v47, v1;
	v6 =	vld.idx.msk [tilespmem:v6+s13+$0x0], $0xffff;
	v12 =	vmul.f32 v19, v18;
	v4 =	vadd.f32 v55, v4  }
0xba: {  	v53 =	vor.u32 $0x35, v7;
	v63 =	vld.idx.msk [tilespmem:v8+s12+$0x0], $0xffff  }
0xbb: {  	v52 =	vmul.f32 v3, v30;
	v1 =	vadd.f32 v49, v1;
	v33 =	vld.idx.msk [tilespmem:v8+s13+$0x0], $0xffff;
	v4 =	vadd.f32 v12, v4  }
0xbc: {  	v60 =	vor.u32 $0x3D, v7;
	v7 =	vor.u32 $0x3F, v7;
	v8 =	vld [tilespmem:$0x1FEA0]  }
0xbd: {  	v1 =	vadd.f32 v52, v1;
	v12 =	vmul.f32 v15, v14;
	v14 =	vld.idx.msk [tilespmem:v5+s12+$0x0], $0xffff;
	v4 =	vadd.f32 v58, v4  }
0xbe: {  	v5 =	vld.idx.msk [tilespmem:v5+s13+$0x0], $0xffff  }
0xbf: {  	v1 =	vadd.f32 v54, v1;
	v4 =	vadd.f32 v12, v4;
	v12 =	vld [tilespmem:$0x1FEB0]  }
0xc0: {  	v3 =	vld.idx.msk [tilespmem:v53+s13+$0x0], $0xffff  }
0xc1: {  	v18 =	vld.idx.msk [tilespmem:v53+s12+$0x0], $0xffff;
	v1 =	vadd.f32 v56, v1  }
0xc2: {  	v61 =	vmul.f32 v10, v20;
	v10 =	vmul.f32 v13, v62;
	v37 =	vld.idx.msk [tilespmem:v7+s12+$0x0], $0xffff  }
0xc3: {  	v59 =	vmul.f32 v9, v22;
	v34 =	vmul.f32 v6, v16;
	v6 =	vld.idx.msk [tilespmem:v60+s13+$0x0], $0xffff;
	v1 =	vadd.f32 v57, v1  }
0xc4: {  	v38 =	vmul.f32 v5, v14;
	v5 =	vld.idx.msk [tilespmem:v7+s13+$0x0], $0xffff;
	v4 =	vadd.f32 v10, v4;
	v8 =	vmul.f32 v12, v8  }
0xc5: {  	v7 =	vld [tilespmem:$0x1FEE0]  }
0xc6: {  	v1 =	vadd.f32 v59, v1;
	v4 =	vadd.f32 v8, v4;
	v8 =	vld [tilespmem:$0x1FEF0]  }
0xc7: {  	v12 =	vld.idx.msk [tilespmem:v60+s12+$0x0], $0xffff  }
0xc8: {  	v32 =	vmul.f32 v3, v18;
	v1 =	vadd.f32 v61, v1  }
0xc9: {  	v9 =	vmul.f32 v36, v35  }
0xca: {  	v41 =	vld [tilespmem:$0x1FF10];
	v1 =	vadd.f32 v32, v1  }
0xcb: {  	v4 =	vadd.f32 v9, v4;
	v7 =	vmul.f32 v8, v7;
	v8 =	vld [tilespmem:$0x1FF00]  }
0xcc: {  	v1 =	vadd.f32 v34, v1;
	v42 =	vmul.f32 v6, v12;
	v6 =	vld [tilespmem:$0x1FF20]  }
0xcd: {  	v4 =	vadd.f32 v7, v4;
	v7 =	vld [tilespmem:$0x1FF30]  }
0xce: {  	v39 =	vmul.f32 v33, v63;
	v1 =	vadd.f32 v38, v1  }
0xcf: {  	s29 =	simm.s32 $0x10  }
0xd0: {  	v40 =	vmov s29;
	v1 =	vadd.f32 v39, v1;
	v8 =	vmul.f32 v41, v8  }
0xd1: {  	v3 =	vshll.u32 v40, $0x6;
	v43 =	vmul.f32 v5, v37  }
0xd2: {  	v1 =	vadd.f32 v42, v1;
	v6 =	vmul.f32 v7, v6;
	v4 =	vadd.f32 v8, v4  }
0xd3: {  	v7 =	vor.u32 v0, v3  }
0xd4: {  	v1 =	vadd.f32 v43, v1;
	v3 =	vor.u32 $0x3E, v7;
	v4 =	vadd.f32 v6, v4;
	_ =	sdelay $0x1  }
0xd5: {  	v5 =	vor.u32 $0x3C, v7;
	v1 =	vadd.f32 v1, v4;
	_ =	sdelay $0x1  }
0xd6: {  	v6 =	vor.u32 $0x3A, v7;
	[tilespmem:s26+$0x0] =	vst v1  }
0xd7: {  	v63 =	vld.idx.msk [tilespmem:v3+s12+$0x0], $0xffff  }
0xd8: {  	v44 =	vor.u32 $0x38, v7;
	v1 =	vld.idx.msk [tilespmem:v3+s13+$0x0], $0xffff  }
0xd9: {  	v45 =	vld.idx.msk [tilespmem:v5+s12+$0x0], $0xffff  }
0xda: {  	v46 =	vor.u32 $0x36, v7;
	v47 =	vld.idx.msk [tilespmem:v5+s13+$0x0], $0xffff  }
0xdb: {  	v48 =	vld.idx.msk [tilespmem:v6+s12+$0x0], $0xffff  }
0xdc: {  	v13 =	vor.u32 $0x34, v7;
	v49 =	vld.idx.msk [tilespmem:v6+s13+$0x0], $0xffff  }
0xdd: {  	v50 =	vld.idx.msk [tilespmem:v44+s12+$0x0], $0xffff  }
0xde: {  	v15 =	vor.u32 $0x32, v7;
	v51 =	vld.idx.msk [tilespmem:v44+s13+$0x0], $0xffff  }
0xdf: {  	v52 =	vld.idx.msk [tilespmem:v46+s12+$0x0], $0xffff  }
0xe0: {  	v17 =	vor.u32 $0x30, v7;
	v53 =	vld.idx.msk [tilespmem:v46+s13+$0x0], $0xffff  }
0xe1: {  	v54 =	vld.idx.msk [tilespmem:v13+s12+$0x0], $0xffff  }
0xe2: {  	v19 =	vor.u32 $0x2E, v7;
	v55 =	vld.idx.msk [tilespmem:v13+s13+$0x0], $0xffff  }
0xe3: {  	v14 =	vld.idx.msk [tilespmem:v15+s12+$0x0], $0xffff  }
0xe4: {  	v21 =	vor.u32 $0x2C, v7;
	v13 =	vld.idx.msk [tilespmem:v15+s13+$0x0], $0xffff  }
0xe5: {  	v16 =	vld.idx.msk [tilespmem:v17+s12+$0x0], $0xffff  }
0xe6: {  	v23 =	vor.u32 $0x2A, v7;
	v17 =	vld.idx.msk [tilespmem:v17+s13+$0x0], $0xffff  }
0xe7: {  	v18 =	vld.idx.msk [tilespmem:v19+s12+$0x0], $0xffff  }
0xe8: {  	v25 =	vor.u32 $0x28, v7;
	v19 =	vld.idx.msk [tilespmem:v19+s13+$0x0], $0xffff  }
0xe9: {  	v20 =	vld.idx.msk [tilespmem:v21+s12+$0x0], $0xffff  }
0xea: {  	v27 =	vor.u32 $0x26, v7;
	v21 =	vld.idx.msk [tilespmem:v21+s13+$0x0], $0xffff  }
0xeb: {  	v22 =	vld.idx.msk [tilespmem:v23+s12+$0x0], $0xffff  }
0xec: {  	v29 =	vor.u32 $0x24, v7;
	v23 =	vld.idx.msk [tilespmem:v23+s13+$0x0], $0xffff  }
0xed: {  	v24 =	vld.idx.msk [tilespmem:v25+s12+$0x0], $0xffff  }
0xee: {  	v31 =	vor.u32 $0x22, v7;
	v25 =	vld.idx.msk [tilespmem:v25+s13+$0x0], $0xffff  }
0xef: {  	v26 =	vld.idx.msk [tilespmem:v27+s12+$0x0], $0xffff  }
0xf0: {  	v56 =	vor.u32 $0x20, v7;
	v27 =	vld.idx.msk [tilespmem:v27+s13+$0x0], $0xffff  }
0xf1: {  	v28 =	vld.idx.msk [tilespmem:v29+s12+$0x0], $0xffff  }
0xf2: {  	v57 =	vor.u32 $0x1E, v7;
	v29 =	vld.idx.msk [tilespmem:v29+s13+$0x0], $0xffff  }
0xf3: {  	v30 =	vld.idx.msk [tilespmem:v31+s12+$0x0], $0xffff  }
0xf4: {  	v58 =	vor.u32 $0x1C, v7;
	v31 =	vld.idx.msk [tilespmem:v31+s13+$0x0], $0xffff  }
0xf5: {  	v32 =	vld.idx.msk [tilespmem:v56+s12+$0x0], $0xffff  }
0xf6: {  	v59 =	vor.u32 $0x1A, v7;
	v33 =	vld.idx.msk [tilespmem:v56+s13+$0x0], $0xffff  }
0xf7: {  	v34 =	vld.idx.msk [tilespmem:v57+s12+$0x0], $0xffff  }
0xf8: {  	v60 =	vor.u32 $0x18, v7;
	v35 =	vld.idx.msk [tilespmem:v57+s13+$0x0], $0xffff  }
0xf9: {  	v36 =	vld.idx.msk [tilespmem:v58+s12+$0x0], $0xffff  }
0xfa: {  	v61 =	vor.u32 $0x16, v7;
	v37 =	vld.idx.msk [tilespmem:v58+s13+$0x0], $0xffff  }
0xfb: {  	v38 =	vld.idx.msk [tilespmem:v59+s12+$0x0], $0xffff  }
0xfc: {  	v62 =	vor.u32 $0x14, v7;
	v39 =	vld.idx.msk [tilespmem:v59+s13+$0x0], $0xffff  }
0xfd: {  	v0 =	vor.u32 $0x12, v7;
	v40 =	vld.idx.msk [tilespmem:v60+s12+$0x0], $0xffff  }
0xfe: {  	v10 =	vor.u32 $0x8, v7;
	v41 =	vld.idx.msk [tilespmem:v60+s13+$0x0], $0xffff  }
0xff: {  	v42 =	vld.idx.msk [tilespmem:v61+s12+$0x0], $0xffff  }
0x100: {  	v11 =	vor.u32 $0x6, v7;
	v43 =	vld.idx.msk [tilespmem:v61+s13+$0x0], $0xffff  }
0x101: {  	v44 =	vld.idx.msk [tilespmem:v62+s12+$0x0], $0xffff  }
0x102: {  	v46 =	vld.idx.msk [tilespmem:v0+s12+$0x0], $0xffff  }
0x103: {  	v56 =	vld.idx.msk [tilespmem:v10+s12+$0x0], $0xffff  }
0x104: {  	v2 =	vor.u32 $0xE, v7;
	v57 =	vld.idx.msk [tilespmem:v10+s13+$0x0], $0xffff  }
0x105: {  	v58 =	vld.idx.msk [tilespmem:v11+s12+$0x0], $0xffff  }
0x106: {  	v3 =	vor.u32 $0xC, v7;
	v59 =	vld.idx.msk [tilespmem:v11+s13+$0x0], $0xffff;
	[tilespmem:$0x1FF40] =	vst v1  }
0x107: {  	[tilespmem:$0x1FF50] =	vst v45;
	v45 =	vld.idx.msk [tilespmem:v62+s13+$0x0], $0xffff  }
0x108: {  	v9 =	vor.u32 $0xA, v7;
	[tilespmem:$0x1FF60] =	vst v47;
	v47 =	vld.idx.msk [tilespmem:v0+s13+$0x0], $0xffff  }
0x109: {  	[tilespmem:$0x1FF90] =	vst v50;
	v50 =	vld.idx.msk [tilespmem:v2+s12+$0x0], $0xffff  }
0x10a: {  	[tilespmem:$0x1FFA0] =	vst v51;
	v1 =	vor.u32 $0x10, v7;
	v51 =	vld.idx.msk [tilespmem:v2+s13+$0x0], $0xffff  }
0x10b: {  	[tilespmem:$0x1FFB0] =	vst v52;
	v52 =	vld.idx.msk [tilespmem:v3+s12+$0x0], $0xffff  }
0x10c: {  	[tilespmem:$0x1FFC0] =	vst v53;
	v53 =	vld.idx.msk [tilespmem:v3+s13+$0x0], $0xffff  }
0x10d: {  	[tilespmem:$0x1FFD0] =	vst v54;
	v54 =	vld.idx.msk [tilespmem:v9+s12+$0x0], $0xffff  }
0x10e: {  	[tilespmem:$0x1FFE0] =	vst v55;
	v55 =	vld.idx.msk [tilespmem:v9+s13+$0x0], $0xffff  }
0x10f: {  	[tilespmem:$0x1FF70] =	vst v48;
	v48 =	vld.idx.msk [tilespmem:v1+s12+$0x0], $0xffff  }
0x110: {  	s30 =	simm.s32 $0x20;
	s29 =	simm.s32 $0x10400;
	v60 =	vor.u32 $0x4, v7;
	v61 =	vor.u32 $0x2, v7;
	[tilespmem:$0x1FF80] =	vst v49;
	v49 =	vld.idx.msk [tilespmem:v1+s13+$0x0], $0xffff  }
.LBB2_2:
0x111: {  	_ =	sdelay $0x3  }
0x112: {  	v62 =	vld.idx.msk [tilespmem:v60+s12+$0x0], $0xffff  }
0x113: {  	v11 =	vor.u32 $0x1, v7;
	v60 =	vld.idx.msk [tilespmem:v60+s13+$0x0], $0xffff  }
0x114: {  	v0 =	vld.idx.msk [tilespmem:v61+s12+$0x0], $0xffff  }
0x115: {  	v61 =	vld.idx.msk [tilespmem:v61+s13+$0x0], $0xffff;
	v1 =	vor.u32 $0x3, v7  }
0x116: {  	v2 =	vld.idx.msk [tilespmem:v7+s13+$0x0], $0xffff  }
0x117: {  	v3 =	vld.idx.msk [tilespmem:v7+s12+$0x0], $0xffff;
	v4 =	vor.u32 $0x5, v7  }
0x118: {  	v5 =	vld.idx.msk [tilespmem:v11+s12+$0x0], $0xffff  }
0x119: {  	v15 =	vmov v63;
	v6 =	vor.u32 $0x7, v7;
	v63 =	vld.idx.msk [tilespmem:v11+s13+$0x0], $0xffff  }
0x11a: {  	v8 =	vld.idx.msk [tilespmem:v1+s12+$0x0], $0xffff  }
0x11b: {  	v9 =	vor.u32 $0x9, v7;
	v1 =	vld.idx.msk [tilespmem:v1+s13+$0x0], $0xffff  }
0x11c: {  	v10 =	vld.idx.msk [tilespmem:v4+s12+$0x0], $0xffff  }
0x11d: {  	v4 =	vld.idx.msk [tilespmem:v4+s13+$0x0], $0xffff;
	v11 =	vor.u32 $0xB, v7  }
0x11e: {  	v12 =	vld.idx.msk [tilespmem:v6+s12+$0x0], $0xffff;
	v2 =	vmul.f32 v2, v3  }
0x11f: {  	v3 =	vmul.f32 v63, v5;
	v5 =	vld.idx.msk [tilespmem:v6+s13+$0x0], $0xffff;
	v6 =	vor.u32 $0xD, v7  }
0x120: {  	v0 =	vmul.f32 v61, v0;
	v61 =	vld.idx.msk [tilespmem:v9+s12+$0x0], $0xffff;
	v2 =	vadd.f32 $0.0e+00, v2  }
0x121: {  	v63 =	vor.u32 $0xF, v7;
	v1 =	vmul.f32 v1, v8;
	v8 =	vld.idx.msk [tilespmem:v9+s13+$0x0], $0xffff;
	v3 =	vadd.f32 $0.0e+00, v3  }
0x122: {  	v0 =	vadd.f32 v0, v2;
	v9 =	vmul.f32 v60, v62;
	v60 =	vld.idx.msk [tilespmem:v11+s12+$0x0], $0xffff  }
0x123: {  	v62 =	vor.u32 $0x11, v7;
	v1 =	vadd.f32 v1, v3;
	v3 =	vld.idx.msk [tilespmem:v11+s13+$0x0], $0xffff  }
0x124: {  	v2 =	vmul.f32 v4, v10;
	v4 =	vmul.f32 v59, v58;
	v0 =	vadd.f32 v9, v0;
	v10 =	vld.idx.msk [tilespmem:v6+s12+$0x0], $0xffff  }
0x125: {  	v11 =	vor.u32 $0x13, v7;
	v59 =	vmul.f32 v5, v12;
	v5 =	vld.idx.msk [tilespmem:v6+s13+$0x0], $0xffff  }
0x126: {  	v0 =	vadd.f32 v4, v0;
	v9 =	vld.idx.msk [tilespmem:v63+s12+$0x0], $0xffff  }
0x127: {  	v6 =	vmul.f32 v57, v56;
	v12 =	vor.u32 $0x15, v7;
	v4 =	vld.idx.msk [tilespmem:v63+s13+$0x0], $0xffff;
	v1 =	vadd.f32 v2, v1  }
0x128: {  	v61 =	vmul.f32 v8, v61;
	v8 =	vmul.f32 v55, v54;
	v54 =	vld.idx.msk [tilespmem:v62+s12+$0x0], $0xffff  }
0x129: {  	v57 =	vor.u32 $0x17, v7;
	v1 =	vadd.f32 v59, v1;
	v59 =	vld.idx.msk [tilespmem:v62+s13+$0x0], $0xffff  }
0x12a: {  	v0 =	vadd.f32 v6, v0;
	v58 =	vmul.f32 v3, v60;
	v60 =	vld.idx.msk [tilespmem:v11+s12+$0x0], $0xffff  }
0x12b: {  	v1 =	vadd.f32 v61, v1;
	v61 =	vor.u32 $0x19, v7;
	v62 =	vmul.f32 v5, v10;
	v5 =	vld.idx.msk [tilespmem:v11+s13+$0x0], $0xffff  }
0x12c: {  	v6 =	vmul.f32 v53, v52;
	v0 =	vadd.f32 v8, v0;
	v63 =	vld.idx.msk [tilespmem:v12+s12+$0x0], $0xffff  }
0x12d: {  	v8 =	vmul.f32 v51, v50;
	v11 =	vor.u32 $0x1B, v7;
	v50 =	vmul.f32 v4, v9;
	v4 =	vld.idx.msk [tilespmem:v12+s13+$0x0], $0xffff  }
0x12e: {  	v51 =	vld.idx.msk [tilespmem:v57+s12+$0x0], $0xffff;
	v0 =	vadd.f32 v6, v0  }
0x12f: {  	v12 =	vor.u32 $0x1D, v7;
	v57 =	vld.idx.msk [tilespmem:v57+s13+$0x0], $0xffff  }
0x130: {  	v6 =	vmul.f32 v49, v48;
	v1 =	vadd.f32 v58, v1;
	v0 =	vadd.f32 v8, v0;
	v58 =	vld.idx.msk [tilespmem:v61+s12+$0x0], $0xffff  }
0x131: {  	v49 =	vor.u32 $0x23, v7;
	v56 =	vmul.f32 v59, v54;
	v60 =	vmul.f32 v5, v60;
	v5 =	vld.idx.msk [tilespmem:v61+s13+$0x0], $0xffff  }
0x132: {  	v8 =	vmul.f32 v47, v46;
	v59 =	vor.u32 $0x1F, v7;
	v0 =	vadd.f32 v6, v0;
	v61 =	vld.idx.msk [tilespmem:v11+s12+$0x0], $0xffff  }
0x133: {  	v1 =	vadd.f32 v62, v1;
	v63 =	vmul.f32 v4, v63;
	v4 =	vld.idx.msk [tilespmem:v11+s13+$0x0], $0xffff  }
0x134: {  	v62 =	vor.u32 $0x21, v7;
	v6 =	vmul.f32 v45, v44;
	v48 =	vld.idx.msk [tilespmem:v12+s12+$0x0], $0xffff;
	v0 =	vadd.f32 v8, v0  }
0x135: {  	v1 =	vadd.f32 v50, v1;
	v50 =	vmul.f32 v57, v51;
	v51 =	vld.idx.msk [tilespmem:v12+s13+$0x0], $0xffff  }
0x136: {  	v57 =	vld.idx.msk [tilespmem:v49+s12+$0x0], $0xffff;
	v8 =	vmul.f32 v43, v42;
	v0 =	vadd.f32 v6, v0  }
0x137: {  	v12 =	vor.u32 $0x25, v7;
	v1 =	vadd.f32 v56, v1;
	v52 =	vld.idx.msk [tilespmem:v59+s12+$0x0], $0xffff  }
0x138: {  	v6 =	vmul.f32 v41, v40;
	v53 =	vmul.f32 v5, v58;
	v5 =	vld.idx.msk [tilespmem:v59+s13+$0x0], $0xffff;
	v0 =	vadd.f32 v8, v0  }
0x139: {  	v55 =	vor.u32 $0x27, v7;
	v54 =	vld.idx.msk [tilespmem:v62+s12+$0x0], $0xffff;
	v1 =	vadd.f32 v60, v1  }
0x13a: {  	v56 =	vmul.f32 v4, v61;
	v4 =	vld.idx.msk [tilespmem:v62+s13+$0x0], $0xffff;
	v8 =	vmul.f32 v39, v38;
	v0 =	vadd.f32 v6, v0  }
0x13b: {  	v58 =	vor.u32 $0x29, v7;
	v60 =	vld.idx.msk [tilespmem:v49+s13+$0x0], $0xffff;
	v59 =	vmul.f32 v51, v48;
	v48 =	vor.u32 $0x3B, v7  }
0x13c: {  	v61 =	vld.idx.msk [tilespmem:v12+s12+$0x0], $0xffff;
	v1 =	vadd.f32 v63, v1;
	v6 =	vmul.f32 v37, v36;
	v0 =	vadd.f32 v8, v0  }
0x13d: {  	v63 =	vmul.f32 v5, v52;
	v5 =	vld.idx.msk [tilespmem:v12+s13+$0x0], $0xffff  }
0x13e: {  	v1 =	vadd.f32 v50, v1;
	v8 =	vmul.f32 v35, v34;
	v34 =	vld.idx.msk [tilespmem:v55+s12+$0x0], $0xffff;
	v0 =	vadd.f32 v6, v0  }
0x13f: {  	v62 =	vor.u32 $0x2B, v7;
	v12 =	vor.u32 $0x2D, v7;
	v35 =	vmul.f32 v4, v54;
	v4 =	vld.idx.msk [tilespmem:v55+s13+$0x0], $0xffff  }
0x140: {  	v37 =	vld.idx.msk [tilespmem:v58+s13+$0x0], $0xffff;
	v1 =	vadd.f32 v53, v1;
	v6 =	vmul.f32 v33, v32;
	v0 =	vadd.f32 v8, v0  }
0x141: {  	v55 =	vld.idx.msk [tilespmem:v48+s13+$0x0], $0xffff  }
0x142: {  	v1 =	vadd.f32 v56, v1;
	v56 =	vld [tilespmem:$0x1FFC0];
	v8 =	vmul.f32 v31, v30;
	v0 =	vadd.f32 v6, v0  }
0x143: {  	v30 =	vld.idx.msk [tilespmem:v58+s12+$0x0], $0xffff;
	v31 =	vor.u32 $0x2F, v7  }
0x144: {  	v38 =	vmul.f32 v5, v61;
	v5 =	vld.idx.msk [tilespmem:v62+s13+$0x0], $0xffff;
	v6 =	vmul.f32 v29, v28;
	v0 =	vadd.f32 v8, v0  }
0x145: {  	v40 =	vor.u32 $0x33, v7;
	v39 =	vld.idx.msk [tilespmem:v12+s12+$0x0], $0xffff  }
0x146: {  	v41 =	vmul.f32 v4, v34;
	v4 =	vld.idx.msk [tilespmem:v12+s13+$0x0], $0xffff;
	v8 =	vmul.f32 v27, v26;
	v0 =	vadd.f32 v6, v0  }
0x147: {  	v1 =	vadd.f32 v59, v1;
	v12 =	vor.u32 $0x35, v7;
	v59 =	vld [tilespmem:$0x1FFA0]  }
0x148: {  	v28 =	vld.idx.msk [tilespmem:v62+s12+$0x0], $0xffff;
	v6 =	vmul.f32 v25, v24;
	v0 =	vadd.f32 v8, v0  }
0x149: {  	v1 =	vadd.f32 v63, v1;
	v42 =	vld.idx.msk [tilespmem:v31+s12+$0x0], $0xffff  }
0x14a: {  	v29 =	vor.u32 $0x31, v7;
	v44 =	vld.idx.msk [tilespmem:v31+s13+$0x0], $0xffff;
	v8 =	vmul.f32 v23, v22;
	v0 =	vadd.f32 v6, v0  }
0x14b: {  	v36 =	vmul.f32 v60, v57;
	v1 =	vadd.f32 v35, v1;
	v46 =	vmul.f32 v4, v39;
	v4 =	vld.idx.msk [tilespmem:v40+s13+$0x0], $0xffff  }
0x14c: {  	v47 =	vld.idx.msk [tilespmem:v12+s12+$0x0], $0xffff;
	v6 =	vmul.f32 v21, v20;
	v0 =	vadd.f32 v8, v0  }
0x14d: {  	v50 =	vld.idx.msk [tilespmem:v12+s13+$0x0], $0xffff;
	v1 =	vadd.f32 v36, v1  }
0x14e: {  	v20 =	vld.idx.msk [tilespmem:v40+s12+$0x0], $0xffff;
	v21 =	vor.u32 $0x39, v7;
	v8 =	vmul.f32 v19, v18;
	v0 =	vadd.f32 v6, v0  }
0x14f: {  	v45 =	vmul.f32 v5, v28;
	v5 =	vld.idx.msk [tilespmem:v29+s13+$0x0], $0xffff  }
0x150: {  	v22 =	vld.idx.msk [tilespmem:v29+s12+$0x0], $0xffff;
	v1 =	vadd.f32 v38, v1;
	v6 =	vmul.f32 v17, v16;
	v0 =	vadd.f32 v8, v0  }
0x151: {  	v23 =	vor.u32 $0x37, v7;
	v8 =	vmul.f32 v13, v14;
	v13 =	vld [tilespmem:$0x1FFE0]  }
0x152: {  	v43 =	vmul.f32 v37, v30;
	v1 =	vadd.f32 v41, v1;
	v0 =	vadd.f32 v6, v0;
	v6 =	vld [tilespmem:$0x1FFD0]  }
0x153: {  	v12 =	vor.u32 $0x3D, v7;
	v7 =	vor.u32 $0x3F, v7;
	v53 =	vmul.f32 v4, v20;
	v4 =	vld.idx.msk [tilespmem:v21+s13+$0x0], $0xffff  }
0x154: {  	v1 =	vadd.f32 v43, v1;
	v14 =	vld.idx.msk [tilespmem:v21+s12+$0x0], $0xffff  }
0x155: {  	v0 =	vadd.f32 v8, v0;
	v8 =	vld [tilespmem:$0x1FFB0]  }
0x156: {  	v51 =	vld.idx.msk [tilespmem:v23+s12+$0x0], $0xffff;
	v1 =	vadd.f32 v45, v1  }
0x157: {  	v52 =	vmul.f32 v5, v22;
	v5 =	vld.idx.msk [tilespmem:v23+s13+$0x0], $0xffff;
	v6 =	vmul.f32 v13, v6  }
0x158: {  	v49 =	vmul.f32 v44, v42;
	v60 =	vld.idx.msk [tilespmem:v7+s12+$0x0], $0xffff;
	v1 =	vadd.f32 v46, v1  }
0x159: {  	v0 =	vadd.f32 v6, v0;
	v6 =	vld [tilespmem:$0x1FF90]  }
0x15a: {  	v1 =	vadd.f32 v49, v1;
	v61 =	vmul.f32 v4, v14;
	v4 =	vld.idx.msk [tilespmem:v7+s13+$0x0], $0xffff;
	v8 =	vmul.f32 v56, v8  }
0x15b: {  	v7 =	vld [tilespmem:$0x1FF70]  }
0x15c: {  	v1 =	vadd.f32 v52, v1;
	v0 =	vadd.f32 v8, v0;
	v8 =	vld [tilespmem:$0x1FF80]  }
0x15d: {  	v54 =	vmul.f32 v50, v47;
	v57 =	vld.idx.msk [tilespmem:v12+s12+$0x0], $0xffff  }
0x15e: {  	v58 =	vmul.f32 v5, v51;
	v5 =	vld.idx.msk [tilespmem:v12+s13+$0x0], $0xffff;
	v1 =	vadd.f32 v53, v1;
	v6 =	vmul.f32 v59, v6  }
0x15f: {  	v13 =	vld.idx.msk [tilespmem:v48+s12+$0x0], $0xffff  }
0x160: {  	v1 =	vadd.f32 v54, v1;
	v0 =	vadd.f32 v6, v0;
	v6 =	vld [tilespmem:$0x1FF50]  }
0x161: {  	v7 =	vmul.f32 v8, v7;
	v8 =	vld [tilespmem:$0x1FF60]  }
0x162: {  	v1 =	vadd.f32 v58, v1  }
0x163: {  	v11 =	vmul.f32 v5, v57;
	v5 =	vld [tilespmem:$0x1FF40]  }
0x164: {  	v32 =	vmul.f32 v4, v60;
	v4 =	vld [tilespmem:$0x1FFF0];
	v62 =	vmul.f32 v55, v13;
	v1 =	vadd.f32 v61, v1  }
0x165: {  	v63 =	vmov s30  }
0x166: {  	v1 =	vadd.f32 v62, v1;
	v0 =	vadd.f32 v7, v0;
	v6 =	vmul.f32 v8, v6  }
0x167: {  	v3 =	vshll.u32 v63, $0x6  }
0x168: {  	v5 =	vmul.f32 v5, v15;
	v1 =	vadd.f32 v11, v1;
	v0 =	vadd.f32 v6, v0  }
0x169: {  	v7 =	vor.u32 v4, v3  }
0x16a: {  	v3 =	vor.u32 $0x3E, v7;
	v1 =	vadd.f32 v32, v1;
	v0 =	vadd.f32 v5, v0;
	_ =	sdelay $0x1  }
0x16b: {  	v33 =	vor.u32 $0x3C, v7;
	v0 =	vadd.f32 v1, v0  }
0x16c: {  	s29 =	sadd.s32 $0x10, s29  }
0x16d: {  	v34 =	vor.u32 $0x3A, v7;
	[tilespmem:s29+$0x0] =	vst v0  }
0x16e: {  	v63 =	vld.idx.msk [tilespmem:v3+s12+$0x0], $0xffff  }
0x16f: {  	v35 =	vor.u32 $0x38, v7;
	v3 =	vld.idx.msk [tilespmem:v3+s13+$0x0], $0xffff  }
0x170: {  	v36 =	vld.idx.msk [tilespmem:v33+s12+$0x0], $0xffff  }
0x171: {  	v37 =	vor.u32 $0x36, v7;
	v2 =	vld.idx.msk [tilespmem:v33+s13+$0x0], $0xffff  }
0x172: {  	v39 =	vor.u32 $0x34, v7;
	v38 =	vld.idx.msk [tilespmem:v34+s12+$0x0], $0xffff  }
0x173: {  	v41 =	vor.u32 $0x32, v7;
	v1 =	vld.idx.msk [tilespmem:v34+s13+$0x0], $0xffff  }
0x174: {  	v40 =	vld.idx.msk [tilespmem:v35+s12+$0x0], $0xffff  }
0x175: {  	v43 =	vor.u32 $0x30, v7;
	v0 =	vld.idx.msk [tilespmem:v35+s13+$0x0], $0xffff  }
0x176: {  	v42 =	vld.idx.msk [tilespmem:v37+s12+$0x0], $0xffff  }
0x177: {  	v45 =	vor.u32 $0x2E, v7;
	v44 =	vld.idx.msk [tilespmem:v39+s12+$0x0], $0xffff  }
0x178: {  	v14 =	vld.idx.msk [tilespmem:v41+s12+$0x0], $0xffff  }
0x179: {  	v46 =	vor.u32 $0x2C, v7;
	v13 =	vld.idx.msk [tilespmem:v41+s13+$0x0], $0xffff  }
0x17a: {  	v16 =	vld.idx.msk [tilespmem:v43+s12+$0x0], $0xffff  }
0x17b: {  	v47 =	vor.u32 $0x2A, v7;
	v17 =	vld.idx.msk [tilespmem:v43+s13+$0x0], $0xffff  }
0x17c: {  	v18 =	vld.idx.msk [tilespmem:v45+s12+$0x0], $0xffff  }
0x17d: {  	v48 =	vor.u32 $0x28, v7;
	v19 =	vld.idx.msk [tilespmem:v45+s13+$0x0], $0xffff  }
0x17e: {  	v20 =	vld.idx.msk [tilespmem:v46+s12+$0x0], $0xffff  }
0x17f: {  	v49 =	vor.u32 $0x26, v7;
	v21 =	vld.idx.msk [tilespmem:v46+s13+$0x0], $0xffff  }
0x180: {  	v22 =	vld.idx.msk [tilespmem:v47+s12+$0x0], $0xffff  }
0x181: {  	v50 =	vor.u32 $0x24, v7;
	v23 =	vld.idx.msk [tilespmem:v47+s13+$0x0], $0xffff  }
0x182: {  	v24 =	vld.idx.msk [tilespmem:v48+s12+$0x0], $0xffff  }
0x183: {  	v51 =	vor.u32 $0x22, v7;
	v25 =	vld.idx.msk [tilespmem:v48+s13+$0x0], $0xffff  }
0x184: {  	v26 =	vld.idx.msk [tilespmem:v49+s12+$0x0], $0xffff  }
0x185: {  	v52 =	vor.u32 $0x20, v7;
	v27 =	vld.idx.msk [tilespmem:v49+s13+$0x0], $0xffff  }
0x186: {  	v28 =	vld.idx.msk [tilespmem:v50+s12+$0x0], $0xffff  }
0x187: {  	v53 =	vor.u32 $0x1E, v7;
	v29 =	vld.idx.msk [tilespmem:v50+s13+$0x0], $0xffff  }
0x188: {  	v30 =	vld.idx.msk [tilespmem:v51+s12+$0x0], $0xffff  }
0x189: {  	v56 =	vor.u32 $0x18, v7;
	v31 =	vld.idx.msk [tilespmem:v51+s13+$0x0], $0xffff  }
0x18a: {  	v57 =	vor.u32 $0x16, v7;
	v32 =	vld.idx.msk [tilespmem:v52+s12+$0x0], $0xffff  }
0x18b: {  	v58 =	vor.u32 $0x14, v7;
	v33 =	vld.idx.msk [tilespmem:v52+s13+$0x0], $0xffff  }
0x18c: {  	v59 =	vor.u32 $0x12, v7;
	v34 =	vld.idx.msk [tilespmem:v53+s12+$0x0], $0xffff  }
0x18d: {  	v35 =	vld.idx.msk [tilespmem:v53+s13+$0x0], $0xffff  }
0x18e: {  	v60 =	vor.u32 $0x10, v7;
	v41 =	vld.idx.msk [tilespmem:v56+s13+$0x0], $0xffff  }
0x18f: {  	v43 =	vld.idx.msk [tilespmem:v57+s13+$0x0], $0xffff  }
0x190: {  	v61 =	vor.u32 $0xE, v7;
	v45 =	vld.idx.msk [tilespmem:v58+s13+$0x0], $0xffff  }
0x191: {  	v46 =	vld.idx.msk [tilespmem:v59+s12+$0x0], $0xffff  }
0x192: {  	v62 =	vor.u32 $0xC, v7;
	v47 =	vld.idx.msk [tilespmem:v59+s13+$0x0], $0xffff  }
0x193: {  	v48 =	vld.idx.msk [tilespmem:v60+s12+$0x0], $0xffff  }
0x194: {  	v11 =	vor.u32 $0x6, v7;
	v49 =	vld.idx.msk [tilespmem:v60+s13+$0x0], $0xffff  }
0x195: {  	v50 =	vld.idx.msk [tilespmem:v61+s12+$0x0], $0xffff  }
0x196: {  	v51 =	vld.idx.msk [tilespmem:v61+s13+$0x0], $0xffff  }
0x197: {  	v54 =	vor.u32 $0x1C, v7;
	v52 =	vld.idx.msk [tilespmem:v62+s12+$0x0], $0xffff  }
0x198: {  	v53 =	vld.idx.msk [tilespmem:v62+s13+$0x0], $0xffff  }
0x199: {  	v55 =	vor.u32 $0x1A, v7;
	v59 =	vld.idx.msk [tilespmem:v11+s13+$0x0], $0xffff  }
0x19a: {  	[tilespmem:$0x1FF40] =	vst v3;
	v3 =	vld.idx.msk [tilespmem:v37+s13+$0x0], $0xffff  }
0x19b: {  	[tilespmem:$0x1FF60] =	vst v2;
	v2 =	vld.idx.msk [tilespmem:v39+s13+$0x0], $0xffff  }
0x19c: {  	[tilespmem:$0x1FF50] =	vst v36;
	v36 =	vld.idx.msk [tilespmem:v54+s12+$0x0], $0xffff  }
0x19d: {  	v37 =	vld.idx.msk [tilespmem:v54+s13+$0x0], $0xffff  }
0x19e: {  	v9 =	vor.u32 $0xA, v7;
	[tilespmem:$0x1FF70] =	vst v38;
	v38 =	vld.idx.msk [tilespmem:v55+s12+$0x0], $0xffff  }
0x19f: {  	v39 =	vld.idx.msk [tilespmem:v55+s13+$0x0], $0xffff  }
0x1a0: {  	v10 =	vor.u32 $0x8, v7;
	[tilespmem:$0x1FF90] =	vst v40;
	v40 =	vld.idx.msk [tilespmem:v56+s12+$0x0], $0xffff  }
0x1a1: {  	[tilespmem:$0x1FFB0] =	vst v42;
	v42 =	vld.idx.msk [tilespmem:v57+s12+$0x0], $0xffff  }
0x1a2: {  	p0 =	sne.s32 s30, $0x1F0;
	[tilespmem:$0x1FFD0] =	vst v44;
	v44 =	vld.idx.msk [tilespmem:v58+s12+$0x0], $0xffff  }
.Ltmp0:
0x1a3: {  	v54 =	vld.idx.msk [tilespmem:v9+s12+$0x0], $0xffff;
	(pc) =	sbr.rel @p0 .LBB2_2-.Ltmp0, $4  }
0x1a4: {  	[tilespmem:$0x1FF80] =	vst v1;
	v55 =	vld.idx.msk [tilespmem:v9+s13+$0x0], $0xffff  }
0x1a5: {  	[tilespmem:$0x1FFA0] =	vst v0;
	v56 =	vld.idx.msk [tilespmem:v10+s12+$0x0], $0xffff  }
0x1a6: {  	v57 =	vld.idx.msk [tilespmem:v10+s13+$0x0], $0xffff;
	[tilespmem:$0x1FFC0] =	vst v3  }
0x1a7: {  	s30 =	sadd.s32 $0x10, s30;
	v60 =	vor.u32 $0x4, v7;
	v61 =	vor.u32 $0x2, v7;
	v58 =	vld.idx.msk [tilespmem:v11+s12+$0x0], $0xffff;
	[tilespmem:$0x1FFE0] =	vst v2  }
0x1a8: {  	_ =	sdelay $0x3  }
0x1a9: {  	v1 =	vld.idx.msk [tilespmem:v60+s12+$0x0], $0xffff  }
0x1aa: {  	v0 =	vor.u32 $0x1, v7;
	v2 =	vld.idx.msk [tilespmem:v60+s13+$0x0], $0xffff  }
0x1ab: {  	v3 =	vld.idx.msk [tilespmem:v61+s12+$0x0], $0xffff  }
0x1ac: {  	v5 =	vor.u32 $0x3, v7;
	v9 =	vld.idx.msk [tilespmem:v7+s13+$0x0], $0xffff  }
0x1ad: {  	v10 =	vld.idx.msk [tilespmem:v7+s12+$0x0], $0xffff  }
0x1ae: {  	v4 =	vld.idx.msk [tilespmem:v61+s13+$0x0], $0xffff;
	v8 =	vor.u32 $0x5, v7  }
0x1af: {  	v6 =	vld.idx.msk [tilespmem:v0+s12+$0x0], $0xffff  }
0x1b0: {  	v11 =	vor.u32 $0x7, v7;
	v0 =	vld.idx.msk [tilespmem:v0+s13+$0x0], $0xffff  }
0x1b1: {  	v12 =	vld.idx.msk [tilespmem:v5+s12+$0x0], $0xffff  }
0x1b2: {  	v15 =	vor.u32 $0x9, v7;
	v5 =	vld.idx.msk [tilespmem:v5+s13+$0x0], $0xffff;
	v9 =	vmul.f32 v9, v10  }
0x1b3: {  	v61 =	vld.idx.msk [tilespmem:v8+s12+$0x0], $0xffff  }
0x1b4: {  	v62 =	vor.u32 $0xB, v7;
	v8 =	vld.idx.msk [tilespmem:v8+s13+$0x0], $0xffff;
	v3 =	vmul.f32 v4, v3;
	v9 =	vadd.f32 $0.0e+00, v9  }
0x1b5: {  	v4 =	vld.idx.msk [tilespmem:v11+s13+$0x0], $0xffff;
	v10 =	vor.u32 $0xD, v7  }
0x1b6: {  	v1 =	vmul.f32 v2, v1;
	v3 =	vadd.f32 v3, v9;
	v0 =	vmul.f32 v0, v6;
	v6 =	vld.idx.msk [tilespmem:v11+s12+$0x0], $0xffff  }
0x1b7: {  	v2 =	vld.idx.msk [tilespmem:v15+s13+$0x0], $0xffff;
	v5 =	vmul.f32 v5, v12;
	v12 =	vor.u32 $0xF, v7  }
0x1b8: {  	v11 =	vld.idx.msk [tilespmem:v15+s12+$0x0], $0xffff;
	v15 =	vmul.f32 v59, v58;
	v1 =	vadd.f32 v1, v3;
	v0 =	vadd.f32 $0.0e+00, v0  }
0x1b9: {  	v61 =	vmul.f32 v8, v61;
	v8 =	vld.idx.msk [tilespmem:v62+s12+$0x0], $0xffff;
	v59 =	vor.u32 $0x11, v7  }
0x1ba: {  	v60 =	vmul.f32 v57, v56;
	v58 =	vld.idx.msk [tilespmem:v62+s13+$0x0], $0xffff;
	v1 =	vadd.f32 v15, v1;
	v0 =	vadd.f32 v5, v0  }
0x1bb: {  	v62 =	vmul.f32 v55, v54;
	v3 =	vmul.f32 v4, v6;
	v4 =	vld.idx.msk [tilespmem:v10+s12+$0x0], $0xffff  }
0x1bc: {  	v1 =	vadd.f32 v60, v1;
	v0 =	vadd.f32 v61, v0;
	v61 =	vld.idx.msk [tilespmem:v10+s13+$0x0], $0xffff;
	v10 =	vor.u32 $0x13, v7  }
0x1bd: {  	v2 =	vmul.f32 v2, v11;
	v11 =	vld.idx.msk [tilespmem:v12+s13+$0x0], $0xffff  }
0x1be: {  	v56 =	vld.idx.msk [tilespmem:v59+s12+$0x0], $0xffff;
	v1 =	vadd.f32 v62, v1;
	v62 =	vor.u32 $0x19, v7;
	v0 =	vadd.f32 v3, v0  }
0x1bf: {  	v57 =	vmul.f32 v53, v52;
	v3 =	vld.idx.msk [tilespmem:v12+s12+$0x0], $0xffff  }
0x1c0: {  	v52 =	vor.u32 $0x1D, v7;
	v0 =	vadd.f32 v2, v0;
	v2 =	vmul.f32 v58, v8;
	v58 =	vld.idx.msk [tilespmem:v59+s13+$0x0], $0xffff  }
0x1c1: {  	v12 =	vor.u32 $0x15, v7;
	v60 =	vld.idx.msk [tilespmem:v10+s12+$0x0], $0xffff  }
0x1c2: {  	v10 =	vld.idx.msk [tilespmem:v10+s13+$0x0], $0xffff  }
0x1c3: {  	v48 =	vmul.f32 v49, v48;
	v49 =	vor.u32 $0x1B, v7;
	v54 =	vld.idx.msk [tilespmem:v62+s12+$0x0], $0xffff  }
0x1c4: {  	v59 =	vor.u32 $0x17, v7;
	v0 =	vadd.f32 v2, v0;
	v2 =	vmul.f32 v61, v4;
	v9 =	vld.idx.msk [tilespmem:v62+s13+$0x0], $0xffff  }
0x1c5: {  	v1 =	vadd.f32 v57, v1;
	v62 =	vld.idx.msk [tilespmem:v52+s13+$0x0], $0xffff  }
0x1c6: {  	v61 =	vmul.f32 v51, v50;
	v0 =	vadd.f32 v2, v0;
	v2 =	vmul.f32 v11, v3;
	v3 =	vld.idx.msk [tilespmem:v12+s12+$0x0], $0xffff  }
0x1c7: {  	v55 =	vmul.f32 v45, v44;
	v45 =	vor.u32 $0x25, v7;
	v12 =	vld.idx.msk [tilespmem:v12+s13+$0x0], $0xffff  }
0x1c8: {  	v1 =	vadd.f32 v61, v1;
	v11 =	vld.idx.msk [tilespmem:v49+s13+$0x0], $0xffff;
	v61 =	vor.u32 $0x23, v7  }
0x1c9: {  	v50 =	vld.idx.msk [tilespmem:v59+s12+$0x0], $0xffff  }
0x1ca: {  	v53 =	vld.idx.msk [tilespmem:v59+s13+$0x0], $0xffff;
	v0 =	vadd.f32 v2, v0;
	v2 =	vmul.f32 v58, v56  }
0x1cb: {  	v51 =	vmul.f32 v47, v46;
	v59 =	vld.idx.msk [tilespmem:v52+s12+$0x0], $0xffff;
	v1 =	vadd.f32 v48, v1;
	v56 =	vor.u32 $0x1F, v7  }
0x1cc: {  	v52 =	vld.idx.msk [tilespmem:v45+s12+$0x0], $0xffff;
	v0 =	vadd.f32 v2, v0;
	v2 =	vmul.f32 v10, v60  }
0x1cd: {  	v58 =	vor.u32 $0x21, v7;
	v1 =	vadd.f32 v51, v1;
	v48 =	vld.idx.msk [tilespmem:v61+s12+$0x0], $0xffff  }
0x1ce: {  	v51 =	vld.idx.msk [tilespmem:v61+s13+$0x0], $0xffff;
	v0 =	vadd.f32 v2, v0;
	v2 =	vmul.f32 v12, v3  }
0x1cf: {  	v57 =	vmul.f32 v43, v42;
	v46 =	vmul.f32 v37, v36;
	v3 =	vld.idx.msk [tilespmem:v49+s12+$0x0], $0xffff;
	v1 =	vadd.f32 v55, v1  }
0x1d0: {  	v47 =	vor.u32 $0x27, v7;
	v43 =	vld.idx.msk [tilespmem:v56+s12+$0x0], $0xffff;
	v0 =	vadd.f32 v2, v0;
	v2 =	vmul.f32 v53, v50  }
0x1d1: {  	v37 =	vor.u32 $0x37, v7;
	v60 =	vmul.f32 v41, v40;
	v10 =	vld.idx.msk [tilespmem:v56+s13+$0x0], $0xffff;
	v1 =	vadd.f32 v57, v1  }
0x1d2: {  	v12 =	vld.idx.msk [tilespmem:v58+s13+$0x0], $0xffff;
	v50 =	vor.u32 $0x29, v7;
	v0 =	vadd.f32 v2, v0;
	v2 =	vmul.f32 v9, v54  }
0x1d3: {  	v44 =	vmul.f32 v39, v38;
	v53 =	vmul.f32 v33, v32;
	v33 =	vor.u32 $0x35, v7;
	v9 =	vld.idx.msk [tilespmem:v45+s13+$0x0], $0xffff  }
0x1d4: {  	v1 =	vadd.f32 v60, v1;
	v0 =	vadd.f32 v2, v0;
	v2 =	vmul.f32 v11, v3;
	v3 =	vld.idx.msk [tilespmem:v58+s12+$0x0], $0xffff  }
0x1d5: {  	v39 =	vor.u32 $0x39, v7;
	v11 =	vld.idx.msk [tilespmem:v47+s13+$0x0], $0xffff  }
0x1d6: {  	v54 =	vor.u32 $0x2B, v7;
	v1 =	vadd.f32 v44, v1;
	v44 =	vld.idx.msk [tilespmem:v37+s12+$0x0], $0xffff  }
0x1d7: {  	v57 =	vld.idx.msk [tilespmem:v50+s12+$0x0], $0xffff  }
0x1d8: {  	v60 =	vld.idx.msk [tilespmem:v50+s13+$0x0], $0xffff  }
0x1d9: {  	v42 =	vor.u32 $0x3B, v7;
	v40 =	vld.idx.msk [tilespmem:v33+s12+$0x0], $0xffff  }
0x1da: {  	v50 =	vld.idx.msk [tilespmem:v39+s13+$0x0], $0xffff;
	v0 =	vadd.f32 v2, v0;
	v2 =	vmul.f32 v62, v59  }
0x1db: {  	v56 =	vor.u32 $0x2D, v7;
	v61 =	vld.idx.msk [tilespmem:v54+s12+$0x0], $0xffff  }
0x1dc: {  	v0 =	vadd.f32 v2, v0;
	v2 =	vmul.f32 v10, v43;
	v10 =	vld.idx.msk [tilespmem:v54+s13+$0x0], $0xffff  }
0x1dd: {  	v43 =	vld.idx.msk [tilespmem:v33+s13+$0x0], $0xffff  }
0x1de: {  	v49 =	vmul.f32 v35, v34;
	v1 =	vadd.f32 v46, v1;
	v59 =	vor.u32 $0x2F, v7;
	v54 =	vld.idx.msk [tilespmem:v42+s13+$0x0], $0xffff  }
0x1df: {  	v0 =	vadd.f32 v2, v0;
	v2 =	vmul.f32 v12, v3;
	v3 =	vld.idx.msk [tilespmem:v47+s12+$0x0], $0xffff  }
0x1e0: {  	v62 =	vmul.f32 v27, v26;
	v26 =	vor.u32 $0x31, v7;
	v1 =	vadd.f32 v49, v1;
	v12 =	vld.idx.msk [tilespmem:v56+s13+$0x0], $0xffff  }
0x1e1: {  	v55 =	vmul.f32 v31, v30;
	v47 =	vld [tilespmem:$0x1FFD0]  }
0x1e2: {  	v1 =	vadd.f32 v53, v1;
	v53 =	vld [tilespmem:$0x1FFC0];
	v0 =	vadd.f32 v2, v0;
	v2 =	vmul.f32 v51, v48  }
0x1e3: {  	v58 =	vmul.f32 v29, v28;
	v31 =	vld.idx.msk [tilespmem:v59+s12+$0x0], $0xffff  }
0x1e4: {  	v34 =	vld.idx.msk [tilespmem:v59+s13+$0x0], $0xffff;
	v1 =	vadd.f32 v55, v1;
	v0 =	vadd.f32 v2, v0;
	v2 =	vmul.f32 v9, v52  }
0x1e5: {  	v46 =	vor.u32 $0x3D, v7;
	v35 =	vld.idx.msk [tilespmem:v26+s12+$0x0], $0xffff  }
0x1e6: {  	v59 =	vld [tilespmem:$0x1FF80];
	v1 =	vadd.f32 v58, v1;
	v0 =	vadd.f32 v2, v0;
	v2 =	vmul.f32 v11, v3  }
0x1e7: {  	v30 =	vor.u32 $0x33, v7;
	v27 =	vmul.f32 v25, v24;
	v3 =	vld.idx.msk [tilespmem:v56+s12+$0x0], $0xffff  }
0x1e8: {  	v48 =	vld [tilespmem:$0x1FFE0];
	v1 =	vadd.f32 v62, v1;
	v0 =	vadd.f32 v2, v0;
	v2 =	vmul.f32 v60, v57  }
0x1e9: {  	v32 =	vmul.f32 v23, v22;
	v49 =	vor.u32 $0x3F, v7;
	v51 =	vld.idx.msk [tilespmem:v42+s12+$0x0], $0xffff  }
0x1ea: {  	v55 =	vld.idx.msk [tilespmem:v46+s12+$0x0], $0xffff;
	v1 =	vadd.f32 v27, v1;
	v0 =	vadd.f32 v2, v0;
	v2 =	vmul.f32 v10, v61  }
0x1eb: {  	v36 =	vmul.f32 v21, v20;
	v9 =	vld.idx.msk [tilespmem:v26+s13+$0x0], $0xffff  }
0x1ec: {  	v11 =	vld.idx.msk [tilespmem:v30+s13+$0x0], $0xffff;
	v1 =	vadd.f32 v32, v1;
	v0 =	vadd.f32 v2, v0;
	v2 =	vmul.f32 v12, v3  }
0x1ed: {  	v38 =	vmul.f32 v19, v18;
	v3 =	vld.idx.msk [tilespmem:v30+s12+$0x0], $0xffff  }
0x1ee: {  	v7 =	vld.idx.msk [tilespmem:v49+s13+$0x0], $0xffff;
	v1 =	vadd.f32 v36, v1;
	v0 =	vadd.f32 v2, v0;
	v2 =	vmul.f32 v34, v31  }
0x1ef: {  	v41 =	vmul.f32 v17, v16;
	v52 =	vld [tilespmem:$0x1FFB0]  }
0x1f0: {  	v56 =	vld [tilespmem:$0x1FF90];
	v1 =	vadd.f32 v38, v1;
	v0 =	vadd.f32 v2, v0;
	v2 =	vmul.f32 v9, v35  }
0x1f1: {  	v45 =	vmul.f32 v13, v14;
	v10 =	vld.idx.msk [tilespmem:v37+s13+$0x0], $0xffff  }
0x1f2: {  	v57 =	vld [tilespmem:$0x1FFA0];
	v1 =	vadd.f32 v41, v1;
	v0 =	vadd.f32 v2, v0;
	v2 =	vmul.f32 v11, v3  }
0x1f3: {  	v8 =	vmul.f32 v48, v47;
	v3 =	vld.idx.msk [tilespmem:v39+s12+$0x0], $0xffff  }
0x1f4: {  	v58 =	vld [tilespmem:$0x1FF70];
	v1 =	vadd.f32 v45, v1;
	v0 =	vadd.f32 v2, v0;
	v2 =	vmul.f32 v43, v40  }
0x1f5: {  	v60 =	vld [tilespmem:$0x1FF50];
	v6 =	vmul.f32 v53, v52  }
0x1f6: {  	v61 =	vld [tilespmem:$0x1FF60];
	v1 =	vadd.f32 v8, v1;
	v0 =	vadd.f32 v2, v0;
	v2 =	vmul.f32 v10, v44  }
0x1f7: {  	v9 =	vld.idx.msk [tilespmem:v46+s13+$0x0], $0xffff;
	v8 =	vmul.f32 v57, v56  }
0x1f8: {  	v62 =	vld [tilespmem:$0x1FF40];
	v1 =	vadd.f32 v6, v1;
	v0 =	vadd.f32 v2, v0;
	v2 =	vmul.f32 v50, v3  }
0x1f9: {  	v6 =	vmul.f32 v59, v58;
	v3 =	vld.idx.msk [tilespmem:v49+s12+$0x0], $0xffff  }
0x1fa: {  	v1 =	vadd.f32 v8, v1;
	v0 =	vadd.f32 v2, v0;
	v2 =	vmul.f32 v54, v51  }
0x1fb: {  	v5 =	vmul.f32 v61, v60  }
0x1fc: {  	v1 =	vadd.f32 v6, v1;
	v0 =	vadd.f32 v2, v0;
	v2 =	vmul.f32 v9, v55  }
0x1fd: {  	v4 =	vmul.f32 v62, v63  }
0x1fe: {  	v1 =	vadd.f32 v5, v1;
	v0 =	vadd.f32 v2, v0;
	v2 =	vmul.f32 v7, v3;
	_ =	sdelay $0x1  }
0x1ff: {  	v1 =	vadd.f32 v4, v1;
	v0 =	vadd.f32 v2, v0;
	_ =	sdelay $0x1  }
0x200: {  	s28 =	sadd.s32 $0x1, s28;
	v0 =	vadd.f32 v0, v1  }
0x201: {  	s29 =	sadd.s32 $0x10, s29;
	p0 =	sne.s32 s28, s8  }
.Ltmp1:
0x202: {  	[tilespmem:s29+$0x0] =	vst v0;
	(pc) =	sbr.rel @p0 .LBB2_1-.Ltmp1, $4  }
0x203: {  	[hbm4b:s7+s1] =	stream.linear.scatter [tilespmem:s26], [sflag:$0x2], $0x200, $0x38;
	[tilespmem:$0x10600] =	vst v63  }
0x204: {  	_ =	swait.ge [sflag:s9], $0x200  }
0x205: {  	[sflag:s9] =	ssyncset.done $0x0  }
0x206: {  	v0 =	vld [tilespmem:$0x1FFF0];
	[sflag:s9] =	ssyncadd.s32 $0xFFFFFE00  }
0x207: {  	_ =	sfence.sel $0x180000  }
0x208: {  	[bflag:$0x0] =	sbarrier.arrive $0xFFFF  }
0x209: {  	p0 =	sne.s32 s2, $0x0;
	_ =	strace $0x90000047  }
0x20a: {  	s0 =	sadd.s32 @!p0 $0x100000, s0;
	[bflag:$0x2] =	sbarrier.arrive $0xFFFF  }
0x20b: {  	[sflag:s0] =	ssyncadd.tile.s32 @!p0 $0x1;
	_ =	shalt  }
.Lfunc_end2:
_tile_overlayer_lowered:
.L_overlay_start_2:
0x20c: {  	(tag) =	ssettag $0x2  }
0x20d: {  	s0 =	rddreg [dreg:$0x0];
	s2 =	stileid.u32  }
0x20e: {  	s1 =	rddreg [dreg:$0x1];
	p0 =	sne.s32 s2, $0x0  }
0x20f: {  	s3 =	rddreg [dreg:$0x2];
	[bflag:$0x3] =	sbarrier.arrive $0xFFFF;
	s2 =	simm.s32 @!p0 $0x1C02  }
0x210: {  	[timem:s3], [sflag:s2] =	dma.local @!p0 [hbm:s0], s1  }
0x211: {  	s0 =	simm.s32 @!p0 $0x2  }
0x212: {  	_ =	swait.ge @!p0 [sflag:s0], s1  }
0x213: {  	s1 =	ssub.s32 @!p0 $0x0, s1;
	[sflag:s0] =	ssyncset.done @!p0 $0x0  }
0x214: {  	[sflag:s0] =	ssyncadd.s32 @!p0 s1  }
0x215: {  	[bflag:$0x3] =	sbarrier.arrive $0xFFFF  }
0x216: {  	_ =	shalt  }

</sc_bundles>
